<compile_context>
chip_gen: v7x
topology: tpu7x:2x2x1
jax: 0.10.2.dev20260603
libtpu: 0.0.44.dev20260713+nightly
codegen_flags: <defaults>
</compile_context>

<pallas_src>
import functools

import jax
import jax.numpy as jnp
from jax import lax
from jax.experimental import pallas as pl
from jax.experimental.pallas import tpu as pltpu
from jax.experimental.pallas import tpu_sc as plsc

DATASET_LEN = 100000
IDT = 782
KSTRIDE = IDT * 128
N = 16384
NUM_WORKERS = 32
BPW = N // NUM_WORKERS
PAIRS = 3 * BPW
ROWS_PW = 6 * PAIRS
CHUNK = 512
NCHUNK = ROWS_PW // CHUNK


def _sampler_body(table_hbm, id1_hbm, id2_hbm, id3_hbm, out_hbm,
                  idx_v, gidx, buf, out_v, sem):
    wid = lax.axis_index("s") * 2 + lax.axis_index("c")
    base = wid * BPW

    pltpu.sync_copy(id1_hbm.at[pl.ds(base, BPW)], idx_v.at[pl.ds(0, BPW)])
    pltpu.sync_copy(id2_hbm.at[pl.ds(base, BPW)], idx_v.at[pl.ds(BPW, BPW)])
    pltpu.sync_copy(id3_hbm.at[pl.ds(base, BPW)], idx_v.at[pl.ds(2 * BPW, BPW)])

    lanes = lax.iota(jnp.int32, 16)

    def _q(g, m):
        return (g + 3 * (m & 1)) * 3 + (m >> 1)

    def build(i, _):
        for g in range(3):
            ids = idx_v[pl.ds(g * BPW + i * 16, 16)]
            b = (ids & -128) + ((ids >> 3) & 15)
            for m in range(6):
                jpos = m & 1
                k = m >> 1
                joff = 4 + g + 3 * jpos
                jt, jj = joff >> 3, joff & 7
                c = k * 2 * KSTRIDE + jt * KSTRIDE + jj * 16
                gidx[pl.ds(_q(g, m) * BPW + i * 16, 16)] = b + c
        return 0

    lax.fori_loop(0, BPW // 16, build, 0)

    def fire(c, _):
        pltpu.async_copy(table_hbm.at[gidx.at[pl.ds(c * CHUNK, CHUNK)]],
                         buf.at[pl.ds(c * CHUNK, CHUNK)], sem)
        return 0

    lax.fori_loop(0, NCHUNK, fire, 0)

    for j in range(6):
        g = j % 3
        for k in range(3):
            q = j * 3 + k

            pltpu.make_async_copy(
                table_hbm.at[gidx.at[pl.ds(q * CHUNK, CHUNK)]],
                buf.at[pl.ds(q * CHUNK, CHUNK)], sem).wait()

            def shuf(t, _, g=g, q=q, j=j, k=k):
                n0 = 16 * t
                ids = idx_v[pl.ds(g * BPW + n0, 16)]
                rowv = q * BPW + n0 + lanes
                vals = plsc.load_gather(buf, [rowv, ids & 7])
                out_v[j, t >> 3, pl.ds(k * 128 + 16 * (t & 7), 16)] = vals
                return 0

            lax.fori_loop(0, 32, shuf, 0)

    for j in range(6):
        pltpu.sync_copy(out_v.at[j], out_hbm.at[j, pl.ds(4 * wid, 4)])


_mesh = plsc.VectorSubcoreMesh(core_axis_name="c", subcore_axis_name="s")

_sampler = functools.partial(
    pl.kernel,
    out_type=jax.ShapeDtypeStruct((6, 128, 512), jnp.float32),
    mesh=_mesh,
    scratch_types=[
        pltpu.VMEM((PAIRS,), jnp.int32),
        pltpu.VMEM((ROWS_PW,), jnp.int32),
        pltpu.VMEM((ROWS_PW, 8), jnp.float32),
        pltpu.VMEM((6, 4, 512), jnp.float32),
        pltpu.SemaphoreType.DMA,
    ],
    compiler_params=pltpu.CompilerParams(use_tc_tiling_on_sc=False,
                                         needs_layout_passes=False),
)(_sampler_body)


@jax.jit
def kernel(euler_sample, rand_id1, rand_id2, rand_id3):
    s = euler_sample[:, 8:24, :]
    sp = jax.lax.dynamic_update_slice(
        jnp.zeros((100096, 16, 3), jnp.float32), s, (0, 0, 0))
    t = jnp.transpose(sp, (2, 1, 0))
    r = t.reshape(3, 2, 8, IDT, 128)
    table = jnp.transpose(r, (0, 1, 3, 2, 4)).reshape(3 * 2 * IDT * 8 * 16,
                                                      8)
    out = _sampler(table,
                   rand_id1.astype(jnp.int32),
                   rand_id2.astype(jnp.int32),
                   rand_id3.astype(jnp.int32))
    o = out.reshape(6, 128, 4, 128)
    o = jnp.transpose(o, (1, 3, 0, 2)).reshape(N, 6, 4)
    return o[:, :, :3]

# --- scband reference (transcript-rebuilt; emitter-appended) ---
"""Pipeline reference for scband-joint-sampler-76544907149685 (READ-ONLY COPY).

The authoritative reference and input builder live on the scoring server;
editing this copy changes nothing except your own understanding.
"""

import jax, jax.numpy as jnp
import numpy as np

DATASET_LEN = 100000
N_JOINTS = 24
EULER_DIM = 3
N = 16384


def setup_inputs(seed: int = 0) -> dict:
    key = jax.random.key(seed)
    k_tab, k1, k2, k3 = jax.random.split(key, 4)
    euler_sample = jax.random.normal(k_tab, (DATASET_LEN, N_JOINTS, EULER_DIM), dtype=jnp.float32)
    rand_id1 = jax.random.randint(k1, (N,), 0, DATASET_LEN, dtype=jnp.int64 if jax.config.jax_enable_x64 else jnp.int32)
    rand_id2 = jax.random.randint(k2, (N,), 0, DATASET_LEN, dtype=jnp.int64 if jax.config.jax_enable_x64 else jnp.int32)
    rand_id3 = jax.random.randint(k3, (N,), 0, DATASET_LEN, dtype=jnp.int64 if jax.config.jax_enable_x64 else jnp.int32)
    return {"euler_sample": euler_sample, "rand_id1": rand_id1, "rand_id2": rand_id2, "rand_id3": rand_id3}


def reference(euler_sample, rand_id1, rand_id2, rand_id3):
    # sample_method == 'label': gather euler angles for joints 12..17
    # rand_id1 drives joints (12, 15); rand_id2 -> (13, 16); rand_id3 -> (14, 17)
    joint12 = euler_sample[rand_id1, 12, :][:, None, :]
    joint15 = euler_sample[rand_id1, 15, :][:, None, :]
    joint13 = euler_sample[rand_id2, 13, :][:, None, :]
    joint16 = euler_sample[rand_id2, 16, :][:, None, :]
    joint14 = euler_sample[rand_id3, 14, :][:, None, :]
    joint17 = euler_sample[rand_id3, 17, :][:, None, :]
    sample_pose = jnp.concatenate([joint12, joint13, joint14, joint15, joint16, joint17], axis=1)
    return sample_pose

if __name__ == "__main__":
    import jax
    _d = setup_inputs()
    print(jax.jit(kernel)(*tuple(_d.values())))

</pallas_src>

<mosaic_0001>
#map = affine_map<(d0, d1) -> (0, 0)>
#map1 = affine_map<(d0, d1) -> (0)>
#map2 = affine_map<(d0, d1) -> (0, 0, 0)>
module attributes {stable_mosaic.version = 14 : i64} {
  func.func @_sampler_body(%arg0: i32, %arg1: i32, %arg2: memref<600576x8xf32, #tpu.memory_space<hbm>>, %arg3: memref<16384xi32, #tpu.memory_space<hbm>>, %arg4: memref<16384xi32, #tpu.memory_space<hbm>>, %arg5: memref<16384xi32, #tpu.memory_space<hbm>>, %arg6: memref<6x128x512xf32, #tpu.memory_space<hbm>>, %arg7: memref<1536xi32, #tpu.memory_space<vmem>>, %arg8: memref<9216xi32, #tpu.memory_space<vmem>>, %arg9: memref<9216x8xf32, #tpu.memory_space<vmem>>, %arg10: memref<6x4x512xf32, #tpu.memory_space<vmem>>, %arg11: memref<!tpu.dma_semaphore, #tpu.memory_space<semaphore_mem>>) attributes {dimension_semantics = [#tpu.dimension_semantics<core_parallel>, #tpu.dimension_semantics<subcore_parallel>], iteration_bounds = array<i64: 2, 16>, scalar_prefetch = 0 : i64, scratch_operands = 5 : i64, tpu.core_type = #tpu.core_type<sc_vector_subcore>, window_params = [{transform_indices = #map}, {transform_indices = #map1}, {transform_indices = #map1}, {transform_indices = #map1}, {transform_indices = #map2}]} {
    %mul3A = arith.constant 2 : i32
    %mul3A_0 = arith.muli %arg1, %mul3A : i32
    %add3A = arith.addi %mul3A_0, %arg0 : i32
    %mul3A_1 = arith.constant 512 : i32
    %mul3A_2 = arith.muli %add3A, %mul3A_1 : i32
    "tpu.region"() ({
      %run_scoped3A_308 = tpu.sem_alloc : memref<!tpu.dma_semaphore, #tpu.memory_space<semaphore_mem>>
      %dma_start3A = arith.constant 0 : i32
      %dma_start3A_309 = tpu.memref_slice %arg7[%dma_start3A] : memref<1536xi32, #tpu.memory_space<vmem>> -> memref<512xi32, #tpu.memory_space<vmem>>
      %dma_start3A_310 = tpu.memref_slice %arg3[%mul3A_2] : memref<16384xi32, #tpu.memory_space<hbm>> -> memref<512xi32, #tpu.memory_space<hbm>>
      %dma_start3A_311 = arith.constant 0 : i32
      %dma_start3A_312 = tpu.memref_slice %arg7[%dma_start3A_311] : memref<1536xi32, #tpu.memory_space<vmem>> -> memref<512xi32, #tpu.memory_space<vmem>>
      %dma_start3A_313 = tpu.memref_slice %arg3[%mul3A_2] : memref<16384xi32, #tpu.memory_space<hbm>> -> memref<512xi32, #tpu.memory_space<hbm>>
      tpu.enqueue_dma source(%dma_start3A_313 : memref<512xi32, #tpu.memory_space<hbm>>) target(%dma_start3A_312 : memref<512xi32, #tpu.memory_space<vmem>>) target_semaphore(%run_scoped3A_308 : memref<!tpu.dma_semaphore, #tpu.memory_space<semaphore_mem>>)
      %dma_wait3A_314 = arith.constant 0 : i32
      %dma_wait3A_315 = tpu.memref_slice %arg7[%dma_wait3A_314] : memref<1536xi32, #tpu.memory_space<vmem>> -> memref<512xi32, #tpu.memory_space<vmem>>
      %dma_wait3A_316 = tpu.memref_slice %arg3[%mul3A_2] : memref<16384xi32, #tpu.memory_space<hbm>> -> memref<512xi32, #tpu.memory_space<hbm>>
      %dma_wait3A_317 = arith.constant 0 : i32
      %dma_wait3A_318 = tpu.memref_slice %arg7[%dma_wait3A_317] : memref<1536xi32, #tpu.memory_space<vmem>> -> memref<512xi32, #tpu.memory_space<vmem>>
      %dma_wait3A_319 = tpu.memref_slice %arg3[%mul3A_2] : memref<16384xi32, #tpu.memory_space<hbm>> -> memref<512xi32, #tpu.memory_space<hbm>>
      tpu.wait_dma2 semaphore(%run_scoped3A_308 : memref<!tpu.dma_semaphore, #tpu.memory_space<semaphore_mem>>) src(%dma_wait3A_319 : memref<512xi32, #tpu.memory_space<hbm>>) dst(%dma_wait3A_318 : memref<512xi32, #tpu.memory_space<vmem>>)
      tpu.yield
    }) : () -> ()
    "tpu.region"() ({
      %run_scoped3A_308 = tpu.sem_alloc : memref<!tpu.dma_semaphore, #tpu.memory_space<semaphore_mem>>
      %dma_start3A = arith.constant 512 : i32
      %dma_start3A_309 = tpu.memref_slice %arg7[%dma_start3A] : memref<1536xi32, #tpu.memory_space<vmem>> -> memref<512xi32, #tpu.memory_space<vmem>>
      %dma_start3A_310 = tpu.memref_slice %arg4[%mul3A_2] : memref<16384xi32, #tpu.memory_space<hbm>> -> memref<512xi32, #tpu.memory_space<hbm>>
      %dma_start3A_311 = arith.constant 512 : i32
      %dma_start3A_312 = tpu.memref_slice %arg7[%dma_start3A_311] : memref<1536xi32, #tpu.memory_space<vmem>> -> memref<512xi32, #tpu.memory_space<vmem>>
      %dma_start3A_313 = tpu.memref_slice %arg4[%mul3A_2] : memref<16384xi32, #tpu.memory_space<hbm>> -> memref<512xi32, #tpu.memory_space<hbm>>
      tpu.enqueue_dma source(%dma_start3A_313 : memref<512xi32, #tpu.memory_space<hbm>>) target(%dma_start3A_312 : memref<512xi32, #tpu.memory_space<vmem>>) target_semaphore(%run_scoped3A_308 : memref<!tpu.dma_semaphore, #tpu.memory_space<semaphore_mem>>)
      %dma_wait3A_314 = arith.constant 512 : i32
      %dma_wait3A_315 = tpu.memref_slice %arg7[%dma_wait3A_314] : memref<1536xi32, #tpu.memory_space<vmem>> -> memref<512xi32, #tpu.memory_space<vmem>>
      %dma_wait3A_316 = tpu.memref_slice %arg4[%mul3A_2] : memref<16384xi32, #tpu.memory_space<hbm>> -> memref<512xi32, #tpu.memory_space<hbm>>
      %dma_wait3A_317 = arith.constant 512 : i32
      %dma_wait3A_318 = tpu.memref_slice %arg7[%dma_wait3A_317] : memref<1536xi32, #tpu.memory_space<vmem>> -> memref<512xi32, #tpu.memory_space<vmem>>
      %dma_wait3A_319 = tpu.memref_slice %arg4[%mul3A_2] : memref<16384xi32, #tpu.memory_space<hbm>> -> memref<512xi32, #tpu.memory_space<hbm>>
      tpu.wait_dma2 semaphore(%run_scoped3A_308 : memref<!tpu.dma_semaphore, #tpu.memory_space<semaphore_mem>>) src(%dma_wait3A_319 : memref<512xi32, #tpu.memory_space<hbm>>) dst(%dma_wait3A_318 : memref<512xi32, #tpu.memory_space<vmem>>)
      tpu.yield
    }) : () -> ()
    "tpu.region"() ({
      %run_scoped3A_308 = tpu.sem_alloc : memref<!tpu.dma_semaphore, #tpu.memory_space<semaphore_mem>>
      %dma_start3A = arith.constant 1024 : i32
      %dma_start3A_309 = tpu.memref_slice %arg7[%dma_start3A] : memref<1536xi32, #tpu.memory_space<vmem>> -> memref<512xi32, #tpu.memory_space<vmem>>
      %dma_start3A_310 = tpu.memref_slice %arg5[%mul3A_2] : memref<16384xi32, #tpu.memory_space<hbm>> -> memref<512xi32, #tpu.memory_space<hbm>>
      %dma_start3A_311 = arith.constant 1024 : i32
      %dma_start3A_312 = tpu.memref_slice %arg7[%dma_start3A_311] : memref<1536xi32, #tpu.memory_space<vmem>> -> memref<512xi32, #tpu.memory_space<vmem>>
      %dma_start3A_313 = tpu.memref_slice %arg5[%mul3A_2] : memref<16384xi32, #tpu.memory_space<hbm>> -> memref<512xi32, #tpu.memory_space<hbm>>
      tpu.enqueue_dma source(%dma_start3A_313 : memref<512xi32, #tpu.memory_space<hbm>>) target(%dma_start3A_312 : memref<512xi32, #tpu.memory_space<vmem>>) target_semaphore(%run_scoped3A_308 : memref<!tpu.dma_semaphore, #tpu.memory_space<semaphore_mem>>)
      %dma_wait3A_314 = arith.constant 1024 : i32
      %dma_wait3A_315 = tpu.memref_slice %arg7[%dma_wait3A_314] : memref<1536xi32, #tpu.memory_space<vmem>> -> memref<512xi32, #tpu.memory_space<vmem>>
      %dma_wait3A_316 = tpu.memref_slice %arg5[%mul3A_2] : memref<16384xi32, #tpu.memory_space<hbm>> -> memref<512xi32, #tpu.memory_space<hbm>>
      %dma_wait3A_317 = arith.constant 1024 : i32
      %dma_wait3A_318 = tpu.memref_slice %arg7[%dma_wait3A_317] : memref<1536xi32, #tpu.memory_space<vmem>> -> memref<512xi32, #tpu.memory_space<vmem>>
      %dma_wait3A_319 = tpu.memref_slice %arg5[%mul3A_2] : memref<16384xi32, #tpu.memory_space<hbm>> -> memref<512xi32, #tpu.memory_space<hbm>>
      tpu.wait_dma2 semaphore(%run_scoped3A_308 : memref<!tpu.dma_semaphore, #tpu.memory_space<semaphore_mem>>) src(%dma_wait3A_319 : memref<512xi32, #tpu.memory_space<hbm>>) dst(%dma_wait3A_318 : memref<512xi32, #tpu.memory_space<vmem>>)
      tpu.yield
    }) : () -> ()
    %iota3A = tpu.iota {dimensions = array<i32: 0>} : vector<16xi32>
    %scan3A = arith.constant 0 : i32
    %scan3A_3 = arith.constant 0 : i32
    %scan3A_4 = arith.constant 32 : i32
    %scan3A_5 = arith.addi %scan3A_3, %scan3A_4 : i32
    %scan3A_6 = arith.constant 1 : i32
    %scan3A_7 = scf.for %scan3A_308 = %scan3A_3 to %scan3A_5 step %scan3A_6 iter_args(%scan3A_309 = %scan3A) -> (i32)  : i32 {
      %mul3A_310 = arith.constant 16 : i32
      %mul3A_311 = arith.muli %scan3A_308, %mul3A_310 : i32
      %add3A_312 = arith.constant 0 : i32
      %add3A_313 = arith.addi %add3A_312, %mul3A_311 : i32
      %get3A = arith.index_cast %add3A_313 : i32 to index
      %get3A_314 = tpu.vector_load %arg7[%get3A] {strides = array<i32>} : memref<1536xi32, #tpu.memory_space<vmem>>, vector<16xi32>,
      %and3A = arith.constant -128 : i32
      %and3A_315 = vector.broadcast %and3A : i32 to vector<16xi32>
      %and3A_316 = arith.andi %get3A_314, %and3A_315 : vector<16xi32>
      %shift_right_arithmetic3A = arith.constant 3 : i32
      %shift_right_arithmetic3A_317 = vector.broadcast %shift_right_arithmetic3A : i32 to vector<16xi32>
      %shift_right_arithmetic3A_318 = arith.shrsi %get3A_314, %shift_right_arithmetic3A_317 : vector<16xi32>
      %and3A_319 = arith.constant 15 : i32
      %and3A_320 = vector.broadcast %and3A_319 : i32 to vector<16xi32>
      %and3A_321 = arith.andi %shift_right_arithmetic3A_318, %and3A_320 : vector<16xi32>
      %add3A_322 = arith.addi %and3A_316, %and3A_321 : vector<16xi32>
      %add3A_323 = arith.constant 64 : i32
      %add3A_324 = vector.broadcast %add3A_323 : i32 to vector<16xi32>
      %add3A_325 = arith.addi %add3A_322, %add3A_324 : vector<16xi32>
      %mul3A_326 = arith.constant 16 : i32
      %mul3A_327 = arith.muli %scan3A_308, %mul3A_326 : i32
      %add3A_328 = arith.constant 0 : i32
      %add3A_329 = arith.addi %add3A_328, %mul3A_327 : i32
      %swap3A = arith.index_cast %add3A_329 : i32 to index
      %swap3A_330 = tpu.vector_load %arg8[%swap3A] {strides = array<i32>} : memref<9216xi32, #tpu.memory_space<vmem>>, vector<16xi32>,
      tpu.vector_store %arg8[%swap3A], %add3A_325 {strides = array<i32>} : memref<9216xi32, #tpu.memory_space<vmem>>, vector<16xi32>,
      %add3A_331 = arith.constant 112 : i32
      %add3A_332 = vector.broadcast %add3A_331 : i32 to vector<16xi32>
      %add3A_333 = arith.addi %add3A_322, %add3A_332 : vector<16xi32>
      %mul3A_334 = arith.constant 16 : i32
      %mul3A_335 = arith.muli %scan3A_308, %mul3A_334 : i32
      %add3A_336 = arith.constant 4608 : i32
      %add3A_337 = arith.addi %add3A_336, %mul3A_335 : i32
      %swap3A_338 = arith.index_cast %add3A_337 : i32 to index
      %swap3A_339 = tpu.vector_load %arg8[%swap3A_338] {strides = array<i32>} : memref<9216xi32, #tpu.memory_space<vmem>>, vector<16xi32>,
      tpu.vector_store %arg8[%swap3A_338], %add3A_333 {strides = array<i32>} : memref<9216xi32, #tpu.memory_space<vmem>>, vector<16xi32>,
      %add3A_340 = arith.constant 200256 : i32
      %add3A_341 = vector.broadcast %add3A_340 : i32 to vector<16xi32>
      %add3A_342 = arith.addi %add3A_322, %add3A_341 : vector<16xi32>
      %mul3A_343 = arith.constant 16 : i32
      %mul3A_344 = arith.muli %scan3A_308, %mul3A_343 : i32
      %add3A_345 = arith.constant 512 : i32
      %add3A_346 = arith.addi %add3A_345, %mul3A_344 : i32
      %swap3A_347 = arith.index_cast %add3A_346 : i32 to index
      %swap3A_348 = tpu.vector_load %arg8[%swap3A_347] {strides = array<i32>} : memref<9216xi32, #tpu.memory_space<vmem>>, vector<16xi32>,
      tpu.vector_store %arg8[%swap3A_347], %add3A_342 {strides = array<i32>} : memref<9216xi32, #tpu.memory_space<vmem>>, vector<16xi32>,
      %add3A_349 = arith.constant 200304 : i32
      %add3A_350 = vector.broadcast %add3A_349 : i32 to vector<16xi32>
      %add3A_351 = arith.addi %add3A_322, %add3A_350 : vector<16xi32>
      %mul3A_352 = arith.constant 16 : i32
      %mul3A_353 = arith.muli %scan3A_308, %mul3A_352 : i32
      %add3A_354 = arith.constant 5120 : i32
      %add3A_355 = arith.addi %add3A_354, %mul3A_353 : i32
      %swap3A_356 = arith.index_cast %add3A_355 : i32 to index
      %swap3A_357 = tpu.vector_load %arg8[%swap3A_356] {strides = array<i32>} : memref<9216xi32, #tpu.memory_space<vmem>>, vector<16xi32>,
      tpu.vector_store %arg8[%swap3A_356], %add3A_351 {strides = array<i32>} : memref<9216xi32, #tpu.memory_space<vmem>>, vector<16xi32>,
      %add3A_358 = arith.constant 400448 : i32
      %add3A_359 = vector.broadcast %add3A_358 : i32 to vector<16xi32>
      %add3A_360 = arith.addi %add3A_322, %add3A_359 : vector<16xi32>
      %mul3A_361 = arith.constant 16 : i32
      %mul3A_362 = arith.muli %scan3A_308, %mul3A_361 : i32
      %add3A_363 = arith.constant 1024 : i32
      %add3A_364 = arith.addi %add3A_363, %mul3A_362 : i32
      %swap3A_365 = arith.index_cast %add3A_364 : i32 to index
      %swap3A_366 = tpu.vector_load %arg8[%swap3A_365] {strides = array<i32>} : memref<9216xi32, #tpu.memory_space<vmem>>, vector<16xi32>,
      tpu.vector_store %arg8[%swap3A_365], %add3A_360 {strides = array<i32>} : memref<9216xi32, #tpu.memory_space<vmem>>, vector<16xi32>,
      %add3A_367 = arith.constant 400496 : i32
      %add3A_368 = vector.broadcast %add3A_367 : i32 to vector<16xi32>
      %add3A_369 = arith.addi %add3A_322, %add3A_368 : vector<16xi32>
      %mul3A_370 = arith.constant 16 : i32
      %mul3A_371 = arith.muli %scan3A_308, %mul3A_370 : i32
      %add3A_372 = arith.constant 5632 : i32
      %add3A_373 = arith.addi %add3A_372, %mul3A_371 : i32
      %swap3A_374 = arith.index_cast %add3A_373 : i32 to index
      %swap3A_375 = tpu.vector_load %arg8[%swap3A_374] {strides = array<i32>} : memref<9216xi32, #tpu.memory_space<vmem>>, vector<16xi32>,
      tpu.vector_store %arg8[%swap3A_374], %add3A_369 {strides = array<i32>} : memref<9216xi32, #tpu.memory_space<vmem>>, vector<16xi32>,
      %mul3A_376 = arith.constant 16 : i32
      %mul3A_377 = arith.muli %scan3A_308, %mul3A_376 : i32
      %add3A_378 = arith.constant 512 : i32
      %add3A_379 = arith.addi %add3A_378, %mul3A_377 : i32
      %get3A_380 = arith.index_cast %add3A_379 : i32 to index
      %get3A_381 = tpu.vector_load %arg7[%get3A_380] {strides = array<i32>} : memref<1536xi32, #tpu.memory_space<vmem>>, vector<16xi32>,
      %and3A_382 = arith.constant -128 : i32
      %and3A_383 = vector.broadcast %and3A_382 : i32 to vector<16xi32>
      %and3A_384 = arith.andi %get3A_381, %and3A_383 : vector<16xi32>
      %shift_right_arithmetic3A_385 = arith.constant 3 : i32
      %shift_right_arithmetic3A_386 = vector.broadcast %shift_right_arithmetic3A_385 : i32 to vector<16xi32>
      %shift_right_arithmetic3A_387 = arith.shrsi %get3A_381, %shift_right_arithmetic3A_386 : vector<16xi32>
      %and3A_388 = arith.constant 15 : i32
      %and3A_389 = vector.broadcast %and3A_388 : i32 to vector<16xi32>
      %and3A_390 = arith.andi %shift_right_arithmetic3A_387, %and3A_389 : vector<16xi32>
      %add3A_391 = arith.addi %and3A_384, %and3A_390 : vector<16xi32>
      %add3A_392 = arith.constant 80 : i32
      %add3A_393 = vector.broadcast %add3A_392 : i32 to vector<16xi32>
      %add3A_394 = arith.addi %add3A_391, %add3A_393 : vector<16xi32>
      %mul3A_395 = arith.constant 16 : i32
      %mul3A_396 = arith.muli %scan3A_308, %mul3A_395 : i32
      %add3A_397 = arith.constant 1536 : i32
      %add3A_398 = arith.addi %add3A_397, %mul3A_396 : i32
      %swap3A_399 = arith.index_cast %add3A_398 : i32 to index
      %swap3A_400 = tpu.vector_load %arg8[%swap3A_399] {strides = array<i32>} : memref<9216xi32, #tpu.memory_space<vmem>>, vector<16xi32>,
      tpu.vector_store %arg8[%swap3A_399], %add3A_394 {strides = array<i32>} : memref<9216xi32, #tpu.memory_space<vmem>>, vector<16xi32>,
      %add3A_401 = arith.constant 100096 : i32
      %add3A_402 = vector.broadcast %add3A_401 : i32 to vector<16xi32>
      %add3A_403 = arith.addi %add3A_391, %add3A_402 : vector<16xi32>
      %mul3A_404 = arith.constant 16 : i32
      %mul3A_405 = arith.muli %scan3A_308, %mul3A_404 : i32
      %add3A_406 = arith.constant 6144 : i32
      %add3A_407 = arith.addi %add3A_406, %mul3A_405 : i32
      %swap3A_408 = arith.index_cast %add3A_407 : i32 to index
      %swap3A_409 = tpu.vector_load %arg8[%swap3A_408] {strides = array<i32>} : memref<9216xi32, #tpu.memory_space<vmem>>, vector<16xi32>,
      tpu.vector_store %arg8[%swap3A_408], %add3A_403 {strides = array<i32>} : memref<9216xi32, #tpu.memory_space<vmem>>, vector<16xi32>,
      %add3A_410 = arith.constant 200272 : i32
      %add3A_411 = vector.broadcast %add3A_410 : i32 to vector<16xi32>
      %add3A_412 = arith.addi %add3A_391, %add3A_411 : vector<16xi32>
      %mul3A_413 = arith.constant 16 : i32
      %mul3A_414 = arith.muli %scan3A_308, %mul3A_413 : i32
      %add3A_415 = arith.constant 2048 : i32
      %add3A_416 = arith.addi %add3A_415, %mul3A_414 : i32
      %swap3A_417 = arith.index_cast %add3A_416 : i32 to index
      %swap3A_418 = tpu.vector_load %arg8[%swap3A_417] {strides = array<i32>} : memref<9216xi32, #tpu.memory_space<vmem>>, vector<16xi32>,
      tpu.vector_store %arg8[%swap3A_417], %add3A_412 {strides = array<i32>} : memref<9216xi32, #tpu.memory_space<vmem>>, vector<16xi32>,
      %add3A_419 = arith.constant 300288 : i32
      %add3A_420 = vector.broadcast %add3A_419 : i32 to vector<16xi32>
      %add3A_421 = arith.addi %add3A_391, %add3A_420 : vector<16xi32>
      %mul3A_422 = arith.constant 16 : i32
      %mul3A_423 = arith.muli %scan3A_308, %mul3A_422 : i32
      %add3A_424 = arith.constant 6656 : i32
      %add3A_425 = arith.addi %add3A_424, %mul3A_423 : i32
      %swap3A_426 = arith.index_cast %add3A_425 : i32 to index
      %swap3A_427 = tpu.vector_load %arg8[%swap3A_426] {strides = array<i32>} : memref<9216xi32, #tpu.memory_space<vmem>>, vector<16xi32>,
      tpu.vector_store %arg8[%swap3A_426], %add3A_421 {strides = array<i32>} : memref<9216xi32, #tpu.memory_space<vmem>>, vector<16xi32>,
      %add3A_428 = arith.constant 400464 : i32
      %add3A_429 = vector.broadcast %add3A_428 : i32 to vector<16xi32>
      %add3A_430 = arith.addi %add3A_391, %add3A_429 : vector<16xi32>
      %mul3A_431 = arith.constant 16 : i32
      %mul3A_432 = arith.muli %scan3A_308, %mul3A_431 : i32
      %add3A_433 = arith.constant 2560 : i32
      %add3A_434 = arith.addi %add3A_433, %mul3A_432 : i32
      %swap3A_435 = arith.index_cast %add3A_434 : i32 to index
      %swap3A_436 = tpu.vector_load %arg8[%swap3A_435] {strides = array<i32>} : memref<9216xi32, #tpu.memory_space<vmem>>, vector<16xi32>,
      tpu.vector_store %arg8[%swap3A_435], %add3A_430 {strides = array<i32>} : memref<9216xi32, #tpu.memory_space<vmem>>, vector<16xi32>,
      %add3A_437 = arith.constant 500480 : i32
      %add3A_438 = vector.broadcast %add3A_437 : i32 to vector<16xi32>
      %add3A_439 = arith.addi %add3A_391, %add3A_438 : vector<16xi32>
      %mul3A_440 = arith.constant 16 : i32
      %mul3A_441 = arith.muli %scan3A_308, %mul3A_440 : i32
      %add3A_442 = arith.constant 7168 : i32
      %add3A_443 = arith.addi %add3A_442, %mul3A_441 : i32
      %swap3A_444 = arith.index_cast %add3A_443 : i32 to index
      %swap3A_445 = tpu.vector_load %arg8[%swap3A_444] {strides = array<i32>} : memref<9216xi32, #tpu.memory_space<vmem>>, vector<16xi32>,
      tpu.vector_store %arg8[%swap3A_444], %add3A_439 {strides = array<i32>} : memref<9216xi32, #tpu.memory_space<vmem>>, vector<16xi32>,
      %mul3A_446 = arith.constant 16 : i32
      %mul3A_447 = arith.muli %scan3A_308, %mul3A_446 : i32
      %add3A_448 = arith.constant 1024 : i32
      %add3A_449 = arith.addi %add3A_448, %mul3A_447 : i32
      %get3A_450 = arith.index_cast %add3A_449 : i32 to index
      %get3A_451 = tpu.vector_load %arg7[%get3A_450] {strides = array<i32>} : memref<1536xi32, #tpu.memory_space<vmem>>, vector<16xi32>,
      %and3A_452 = arith.constant -128 : i32
      %and3A_453 = vector.broadcast %and3A_452 : i32 to vector<16xi32>
      %and3A_454 = arith.andi %get3A_451, %and3A_453 : vector<16xi32>
      %shift_right_arithmetic3A_455 = arith.constant 3 : i32
      %shift_right_arithmetic3A_456 = vector.broadcast %shift_right_arithmetic3A_455 : i32 to vector<16xi32>
      %shift_right_arithmetic3A_457 = arith.shrsi %get3A_451, %shift_right_arithmetic3A_456 : vector<16xi32>
      %and3A_458 = arith.constant 15 : i32
      %and3A_459 = vector.broadcast %and3A_458 : i32 to vector<16xi32>
      %and3A_460 = arith.andi %shift_right_arithmetic3A_457, %and3A_459 : vector<16xi32>
      %add3A_461 = arith.addi %and3A_454, %and3A_460 : vector<16xi32>
      %add3A_462 = arith.constant 96 : i32
      %add3A_463 = vector.broadcast %add3A_462 : i32 to vector<16xi32>
      %add3A_464 = arith.addi %add3A_461, %add3A_463 : vector<16xi32>
      %mul3A_465 = arith.constant 16 : i32
      %mul3A_466 = arith.muli %scan3A_308, %mul3A_465 : i32
      %add3A_467 = arith.constant 3072 : i32
      %add3A_468 = arith.addi %add3A_467, %mul3A_466 : i32
      %swap3A_469 = arith.index_cast %add3A_468 : i32 to index
      %swap3A_470 = tpu.vector_load %arg8[%swap3A_469] {strides = array<i32>} : memref<9216xi32, #tpu.memory_space<vmem>>, vector<16xi32>,
      tpu.vector_store %arg8[%swap3A_469], %add3A_464 {strides = array<i32>} : memref<9216xi32, #tpu.memory_space<vmem>>, vector<16xi32>,
      %add3A_471 = arith.constant 100112 : i32
      %add3A_472 = vector.broadcast %add3A_471 : i32 to vector<16xi32>
      %add3A_473 = arith.addi %add3A_461, %add3A_472 : vector<16xi32>
      %mul3A_474 = arith.constant 16 : i32
      %mul3A_475 = arith.muli %scan3A_308, %mul3A_474 : i32
      %add3A_476 = arith.constant 7680 : i32
      %add3A_477 = arith.addi %add3A_476, %mul3A_475 : i32
      %swap3A_478 = arith.index_cast %add3A_477 : i32 to index
      %swap3A_479 = tpu.vector_load %arg8[%swap3A_478] {strides = array<i32>} : memref<9216xi32, #tpu.memory_space<vmem>>, vector<16xi32>,
      tpu.vector_store %arg8[%swap3A_478], %add3A_473 {strides = array<i32>} : memref<9216xi32, #tpu.memory_space<vmem>>, vector<16xi32>,
      %add3A_480 = arith.constant 200288 : i32
      %add3A_481 = vector.broadcast %add3A_480 : i32 to vector<16xi32>
      %add3A_482 = arith.addi %add3A_461, %add3A_481 : vector<16xi32>
      %mul3A_483 = arith.constant 16 : i32
      %mul3A_484 = arith.muli %scan3A_308, %mul3A_483 : i32
      %add3A_485 = arith.constant 3584 : i32
      %add3A_486 = arith.addi %add3A_485, %mul3A_484 : i32
      %swap3A_487 = arith.index_cast %add3A_486 : i32 to index
      %swap3A_488 = tpu.vector_load %arg8[%swap3A_487] {strides = array<i32>} : memref<9216xi32, #tpu.memory_space<vmem>>, vector<16xi32>,
      tpu.vector_store %arg8[%swap3A_487], %add3A_482 {strides = array<i32>} : memref<9216xi32, #tpu.memory_space<vmem>>, vector<16xi32>,
      %add3A_489 = arith.constant 300304 : i32
      %add3A_490 = vector.broadcast %add3A_489 : i32 to vector<16xi32>
      %add3A_491 = arith.addi %add3A_461, %add3A_490 : vector<16xi32>
      %mul3A_492 = arith.constant 16 : i32
      %mul3A_493 = arith.muli %scan3A_308, %mul3A_492 : i32
      %add3A_494 = arith.constant 8192 : i32
      %add3A_495 = arith.addi %add3A_494, %mul3A_493 : i32
      %swap3A_496 = arith.index_cast %add3A_495 : i32 to index
      %swap3A_497 = tpu.vector_load %arg8[%swap3A_496] {strides = array<i32>} : memref<9216xi32, #tpu.memory_space<vmem>>, vector<16xi32>,
      tpu.vector_store %arg8[%swap3A_496], %add3A_491 {strides = array<i32>} : memref<9216xi32, #tpu.memory_space<vmem>>, vector<16xi32>,
      %add3A_498 = arith.constant 400480 : i32
      %add3A_499 = vector.broadcast %add3A_498 : i32 to vector<16xi32>
      %add3A_500 = arith.addi %add3A_461, %add3A_499 : vector<16xi32>
      %mul3A_501 = arith.constant 16 : i32
      %mul3A_502 = arith.muli %scan3A_308, %mul3A_501 : i32
      %add3A_503 = arith.constant 4096 : i32
      %add3A_504 = arith.addi %add3A_503, %mul3A_502 : i32
      %swap3A_505 = arith.index_cast %add3A_504 : i32 to index
      %swap3A_506 = tpu.vector_load %arg8[%swap3A_505] {strides = array<i32>} : memref<9216xi32, #tpu.memory_space<vmem>>, vector<16xi32>,
      tpu.vector_store %arg8[%swap3A_505], %add3A_500 {strides = array<i32>} : memref<9216xi32, #tpu.memory_space<vmem>>, vector<16xi32>,
      %add3A_507 = arith.constant 500496 : i32
      %add3A_508 = vector.broadcast %add3A_507 : i32 to vector<16xi32>
      %add3A_509 = arith.addi %add3A_461, %add3A_508 : vector<16xi32>
      %mul3A_510 = arith.constant 16 : i32
      %mul3A_511 = arith.muli %scan3A_308, %mul3A_510 : i32
      %add3A_512 = arith.constant 8704 : i32
      %add3A_513 = arith.addi %add3A_512, %mul3A_511 : i32
      %swap3A_514 = arith.index_cast %add3A_513 : i32 to index
      %swap3A_515 = tpu.vector_load %arg8[%swap3A_514] {strides = array<i32>} : memref<9216xi32, #tpu.memory_space<vmem>>, vector<16xi32>,
      tpu.vector_store %arg8[%swap3A_514], %add3A_509 {strides = array<i32>} : memref<9216xi32, #tpu.memory_space<vmem>>, vector<16xi32>,
      %scan3A_516 = arith.constant 0 : i32
      scf.yield %scan3A_516 : i32
    }
    %scan3A_8 = arith.constant 32 : i32
    %scan3A_9 = arith.constant 0 : i32
    %scan3A_10 = arith.constant 0 : i32
    %scan3A_11 = arith.constant 18 : i32
    %scan3A_12 = arith.addi %scan3A_10, %scan3A_11 : i32
    %scan3A_13 = arith.constant 1 : i32
    %scan3A_14 = scf.for %scan3A_308 = %scan3A_10 to %scan3A_12 step %scan3A_13 iter_args(%scan3A_309 = %scan3A_9) -> (i32)  : i32 {
      %mul3A_310 = arith.constant 512 : i32
      %mul3A_311 = arith.muli %scan3A_308, %mul3A_310 : i32
      %mul3A_312 = arith.constant 512 : i32
      %mul3A_313 = arith.muli %scan3A_308, %mul3A_312 : i32
      %dma_start3A = arith.constant 0 : i32
      %dma_start3A_314 = tpu.memref_slice %arg9[%mul3A_313, %dma_start3A] : memref<9216x8xf32, #tpu.memory_space<vmem>> -> memref<512x8xf32, #tpu.memory_space<vmem>>
      %dma_start3A_315 = tpu.memref_slice %arg8[%mul3A_311] : memref<9216xi32, #tpu.memory_space<vmem>> -> memref<512xi32, #tpu.memory_space<vmem>>
      %dma_start3A_316 = arith.constant 0 : i32
      %dma_start3A_317 = arith.constant 0 : i32
      %dma_start3A_318 = tpu.memref_slice %arg2[%dma_start3A_316, %dma_start3A_317] : memref<600576x8xf32, #tpu.memory_space<hbm>> -> memref<600576x8xf32, #tpu.memory_space<hbm>>
      tpu.enqueue_indirect_dma source(%dma_start3A_318 : memref<600576x8xf32, #tpu.memory_space<hbm>>) target(%dma_start3A_314 : memref<512x8xf32, #tpu.memory_space<vmem>>) offsets(%dma_start3A_315 : memref<512xi32, #tpu.memory_space<vmem>>) semaphore(%arg11 : memref<!tpu.dma_semaphore, #tpu.memory_space<semaphore_mem>>)
      %scan3A_319 = arith.constant 0 : i32
      scf.yield %scan3A_319 : i32
    }
    %scan3A_15 = arith.constant 18 : i32
    %dma_wait3A = arith.constant 0 : i32
    %dma_wait3A_16 = arith.constant 0 : i32
    %dma_wait3A_17 = tpu.memref_slice %arg9[%dma_wait3A, %dma_wait3A_16] : memref<9216x8xf32, #tpu.memory_space<vmem>> -> memref<512x8xf32, #tpu.memory_space<vmem>>
    %dma_wait3A_18 = arith.constant 0 : i32
    %dma_wait3A_19 = tpu.memref_slice %arg8[%dma_wait3A_18] : memref<9216xi32, #tpu.memory_space<vmem>> -> memref<512xi32, #tpu.memory_space<vmem>>
    %dma_wait3A_20 = arith.constant 0 : i32
    %dma_wait3A_21 = arith.constant 0 : i32
    %dma_wait3A_22 = tpu.memref_slice %arg2[%dma_wait3A_20, %dma_wait3A_21] : memref<600576x8xf32, #tpu.memory_space<hbm>> -> memref<600576x8xf32, #tpu.memory_space<hbm>>
    tpu.wait_indirect_dma semaphore(%arg11 : memref<!tpu.dma_semaphore, #tpu.memory_space<semaphore_mem>>) src(%dma_wait3A_22 : memref<600576x8xf32, #tpu.memory_space<hbm>>) dst(%dma_wait3A_17 : memref<512x8xf32, #tpu.memory_space<vmem>>)
    %scan3A_23 = arith.constant 0 : i32
    %scan3A_24 = arith.constant 0 : i32
    %scan3A_25 = arith.constant 32 : i32
    %scan3A_26 = arith.addi %scan3A_24, %scan3A_25 : i32
    %scan3A_27 = arith.constant 1 : i32
    %scan3A_28 = scf.for %scan3A_308 = %scan3A_24 to %scan3A_26 step %scan3A_27 iter_args(%scan3A_309 = %scan3A_23) -> (i32)  : i32 {
      %mul3A_310 = arith.constant 16 : i32
      %mul3A_311 = arith.muli %mul3A_310, %scan3A_308 : i32
      %add3A_312 = arith.constant 0 : i32
      %add3A_313 = arith.addi %add3A_312, %mul3A_311 : i32
      %get3A = arith.index_cast %add3A_313 : i32 to index
      %get3A_314 = tpu.vector_load %arg7[%get3A] {strides = array<i32>} : memref<1536xi32, #tpu.memory_space<vmem>>, vector<16xi32>,
      %add3A_315 = arith.constant 0 : i32
      %add3A_316 = arith.addi %add3A_315, %mul3A_311 : i32
      %add3A_317 = vector.broadcast %add3A_316 : i32 to vector<16xi32>
      %add3A_318 = arith.addi %add3A_317, %iota3A : vector<16xi32>
      %and3A = arith.constant 7 : i32
      %and3A_319 = vector.broadcast %and3A : i32 to vector<16xi32>
      %and3A_320 = arith.andi %get3A_314, %and3A_319 : vector<16xi32>
      %gather3A = tpu.vector_load_idx %arg9[%add3A_318, %and3A_320] : memref<9216x8xf32, #tpu.memory_space<vmem>>[vector<16xi32>, vector<16xi32>], vector<16xf32>,
      %shift_right_arithmetic3A = arith.constant 3 : i32
      %shift_right_arithmetic3A_321 = arith.shrsi %scan3A_308, %shift_right_arithmetic3A : i32
      %and3A_322 = arith.constant 7 : i32
      %and3A_323 = arith.andi %scan3A_308, %and3A_322 : i32
      %mul3A_324 = arith.constant 16 : i32
      %mul3A_325 = arith.muli %mul3A_324, %and3A_323 : i32
      %add3A_326 = arith.constant 0 : i32
      %add3A_327 = arith.addi %add3A_326, %mul3A_325 : i32
      %swap3A = arith.constant 0 : i32
      %swap3A_328 = arith.index_cast %swap3A : i32 to index
      %swap3A_329 = arith.index_cast %shift_right_arithmetic3A_321 : i32 to index
      %swap3A_330 = arith.index_cast %add3A_327 : i32 to index
      %swap3A_331 = tpu.vector_load %arg10[%swap3A_328, %swap3A_329, %swap3A_330] {strides = array<i32>} : memref<6x4x512xf32, #tpu.memory_space<vmem>>, vector<16xf32>,
      tpu.vector_store %arg10[%swap3A_328, %swap3A_329, %swap3A_330], %gather3A {strides = array<i32>} : memref<6x4x512xf32, #tpu.memory_space<vmem>>, vector<16xf32>,
      %scan3A_332 = arith.constant 0 : i32
      scf.yield %scan3A_332 : i32
    }
    %scan3A_29 = arith.constant 32 : i32
    %dma_wait3A_30 = arith.constant 512 : i32
    %dma_wait3A_31 = arith.constant 0 : i32
    %dma_wait3A_32 = tpu.memref_slice %arg9[%dma_wait3A_30, %dma_wait3A_31] : memref<9216x8xf32, #tpu.memory_space<vmem>> -> memref<512x8xf32, #tpu.memory_space<vmem>>
    %dma_wait3A_33 = arith.constant 512 : i32
    %dma_wait3A_34 = tpu.memref_slice %arg8[%dma_wait3A_33] : memref<9216xi32, #tpu.memory_space<vmem>> -> memref<512xi32, #tpu.memory_space<vmem>>
    %dma_wait3A_35 = arith.constant 0 : i32
    %dma_wait3A_36 = arith.constant 0 : i32
    %dma_wait3A_37 = tpu.memref_slice %arg2[%dma_wait3A_35, %dma_wait3A_36] : memref<600576x8xf32, #tpu.memory_space<hbm>> -> memref<600576x8xf32, #tpu.memory_space<hbm>>
    tpu.wait_indirect_dma semaphore(%arg11 : memref<!tpu.dma_semaphore, #tpu.memory_space<semaphore_mem>>) src(%dma_wait3A_37 : memref<600576x8xf32, #tpu.memory_space<hbm>>) dst(%dma_wait3A_32 : memref<512x8xf32, #tpu.memory_space<vmem>>)
    %scan3A_38 = arith.constant 0 : i32
    %scan3A_39 = arith.constant 0 : i32
    %scan3A_40 = arith.constant 32 : i32
    %scan3A_41 = arith.addi %scan3A_39, %scan3A_40 : i32
    %scan3A_42 = arith.constant 1 : i32
    %scan3A_43 = scf.for %scan3A_308 = %scan3A_39 to %scan3A_41 step %scan3A_42 iter_args(%scan3A_309 = %scan3A_38) -> (i32)  : i32 {
      %mul3A_310 = arith.constant 16 : i32
      %mul3A_311 = arith.muli %mul3A_310, %scan3A_308 : i32
      %add3A_312 = arith.constant 0 : i32
      %add3A_313 = arith.addi %add3A_312, %mul3A_311 : i32
      %get3A = arith.index_cast %add3A_313 : i32 to index
      %get3A_314 = tpu.vector_load %arg7[%get3A] {strides = array<i32>} : memref<1536xi32, #tpu.memory_space<vmem>>, vector<16xi32>,
      %add3A_315 = arith.constant 512 : i32
      %add3A_316 = arith.addi %add3A_315, %mul3A_311 : i32
      %add3A_317 = vector.broadcast %add3A_316 : i32 to vector<16xi32>
      %add3A_318 = arith.addi %add3A_317, %iota3A : vector<16xi32>
      %and3A = arith.constant 7 : i32
      %and3A_319 = vector.broadcast %and3A : i32 to vector<16xi32>
      %and3A_320 = arith.andi %get3A_314, %and3A_319 : vector<16xi32>
      %gather3A = tpu.vector_load_idx %arg9[%add3A_318, %and3A_320] : memref<9216x8xf32, #tpu.memory_space<vmem>>[vector<16xi32>, vector<16xi32>], vector<16xf32>,
      %shift_right_arithmetic3A = arith.constant 3 : i32
      %shift_right_arithmetic3A_321 = arith.shrsi %scan3A_308, %shift_right_arithmetic3A : i32
      %and3A_322 = arith.constant 7 : i32
      %and3A_323 = arith.andi %scan3A_308, %and3A_322 : i32
      %mul3A_324 = arith.constant 16 : i32
      %mul3A_325 = arith.muli %mul3A_324, %and3A_323 : i32
      %add3A_326 = arith.constant 128 : i32
      %add3A_327 = arith.addi %add3A_326, %mul3A_325 : i32
      %swap3A = arith.constant 0 : i32
      %swap3A_328 = arith.index_cast %swap3A : i32 to index
      %swap3A_329 = arith.index_cast %shift_right_arithmetic3A_321 : i32 to index
      %swap3A_330 = arith.index_cast %add3A_327 : i32 to index
      %swap3A_331 = tpu.vector_load %arg10[%swap3A_328, %swap3A_329, %swap3A_330] {strides = array<i32>} : memref<6x4x512xf32, #tpu.memory_space<vmem>>, vector<16xf32>,
      tpu.vector_store %arg10[%swap3A_328, %swap3A_329, %swap3A_330], %gather3A {strides = array<i32>} : memref<6x4x512xf32, #tpu.memory_space<vmem>>, vector<16xf32>,
      %scan3A_332 = arith.constant 0 : i32
      scf.yield %scan3A_332 : i32
    }
    %scan3A_44 = arith.constant 32 : i32
    %dma_wait3A_45 = arith.constant 1024 : i32
    %dma_wait3A_46 = arith.constant 0 : i32
    %dma_wait3A_47 = tpu.memref_slice %arg9[%dma_wait3A_45, %dma_wait3A_46] : memref<9216x8xf32, #tpu.memory_space<vmem>> -> memref<512x8xf32, #tpu.memory_space<vmem>>
    %dma_wait3A_48 = arith.constant 1024 : i32
    %dma_wait3A_49 = tpu.memref_slice %arg8[%dma_wait3A_48] : memref<9216xi32, #tpu.memory_space<vmem>> -> memref<512xi32, #tpu.memory_space<vmem>>
    %dma_wait3A_50 = arith.constant 0 : i32
    %dma_wait3A_51 = arith.constant 0 : i32
    %dma_wait3A_52 = tpu.memref_slice %arg2[%dma_wait3A_50, %dma_wait3A_51] : memref<600576x8xf32, #tpu.memory_space<hbm>> -> memref<600576x8xf32, #tpu.memory_space<hbm>>
    tpu.wait_indirect_dma semaphore(%arg11 : memref<!tpu.dma_semaphore, #tpu.memory_space<semaphore_mem>>) src(%dma_wait3A_52 : memref<600576x8xf32, #tpu.memory_space<hbm>>) dst(%dma_wait3A_47 : memref<512x8xf32, #tpu.memory_space<vmem>>)
    %scan3A_53 = arith.constant 0 : i32
    %scan3A_54 = arith.constant 0 : i32
    %scan3A_55 = arith.constant 32 : i32
    %scan3A_56 = arith.addi %scan3A_54, %scan3A_55 : i32
    %scan3A_57 = arith.constant 1 : i32
    %scan3A_58 = scf.for %scan3A_308 = %scan3A_54 to %scan3A_56 step %scan3A_57 iter_args(%scan3A_309 = %scan3A_53) -> (i32)  : i32 {
      %mul3A_310 = arith.constant 16 : i32
      %mul3A_311 = arith.muli %mul3A_310, %scan3A_308 : i32
      %add3A_312 = arith.constant 0 : i32
      %add3A_313 = arith.addi %add3A_312, %mul3A_311 : i32
      %get3A = arith.index_cast %add3A_313 : i32 to index
      %get3A_314 = tpu.vector_load %arg7[%get3A] {strides = array<i32>} : memref<1536xi32, #tpu.memory_space<vmem>>, vector<16xi32>,
      %add3A_315 = arith.constant 1024 : i32
      %add3A_316 = arith.addi %add3A_315, %mul3A_311 : i32
      %add3A_317 = vector.broadcast %add3A_316 : i32 to vector<16xi32>
      %add3A_318 = arith.addi %add3A_317, %iota3A : vector<16xi32>
      %and3A = arith.constant 7 : i32
      %and3A_319 = vector.broadcast %and3A : i32 to vector<16xi32>
      %and3A_320 = arith.andi %get3A_314, %and3A_319 : vector<16xi32>
      %gather3A = tpu.vector_load_idx %arg9[%add3A_318, %and3A_320] : memref<9216x8xf32, #tpu.memory_space<vmem>>[vector<16xi32>, vector<16xi32>], vector<16xf32>,
      %shift_right_arithmetic3A = arith.constant 3 : i32
      %shift_right_arithmetic3A_321 = arith.shrsi %scan3A_308, %shift_right_arithmetic3A : i32
      %and3A_322 = arith.constant 7 : i32
      %and3A_323 = arith.andi %scan3A_308, %and3A_322 : i32
      %mul3A_324 = arith.constant 16 : i32
      %mul3A_325 = arith.muli %mul3A_324, %and3A_323 : i32
      %add3A_326 = arith.constant 256 : i32
      %add3A_327 = arith.addi %add3A_326, %mul3A_325 : i32
      %swap3A = arith.constant 0 : i32
      %swap3A_328 = arith.index_cast %swap3A : i32 to index
      %swap3A_329 = arith.index_cast %shift_right_arithmetic3A_321 : i32 to index
      %swap3A_330 = arith.index_cast %add3A_327 : i32 to index
      %swap3A_331 = tpu.vector_load %arg10[%swap3A_328, %swap3A_329, %swap3A_330] {strides = array<i32>} : memref<6x4x512xf32, #tpu.memory_space<vmem>>, vector<16xf32>,
      tpu.vector_store %arg10[%swap3A_328, %swap3A_329, %swap3A_330], %gather3A {strides = array<i32>} : memref<6x4x512xf32, #tpu.memory_space<vmem>>, vector<16xf32>,
      %scan3A_332 = arith.constant 0 : i32
      scf.yield %scan3A_332 : i32
    }
    %scan3A_59 = arith.constant 32 : i32
    %dma_wait3A_60 = arith.constant 1536 : i32
    %dma_wait3A_61 = arith.constant 0 : i32
    %dma_wait3A_62 = tpu.memref_slice %arg9[%dma_wait3A_60, %dma_wait3A_61] : memref<9216x8xf32, #tpu.memory_space<vmem>> -> memref<512x8xf32, #tpu.memory_space<vmem>>
    %dma_wait3A_63 = arith.constant 1536 : i32
    %dma_wait3A_64 = tpu.memref_slice %arg8[%dma_wait3A_63] : memref<9216xi32, #tpu.memory_space<vmem>> -> memref<512xi32, #tpu.memory_space<vmem>>
    %dma_wait3A_65 = arith.constant 0 : i32
    %dma_wait3A_66 = arith.constant 0 : i32
    %dma_wait3A_67 = tpu.memref_slice %arg2[%dma_wait3A_65, %dma_wait3A_66] : memref<600576x8xf32, #tpu.memory_space<hbm>> -> memref<600576x8xf32, #tpu.memory_space<hbm>>
    tpu.wait_indirect_dma semaphore(%arg11 : memref<!tpu.dma_semaphore, #tpu.memory_space<semaphore_mem>>) src(%dma_wait3A_67 : memref<600576x8xf32, #tpu.memory_space<hbm>>) dst(%dma_wait3A_62 : memref<512x8xf32, #tpu.memory_space<vmem>>)
    %scan3A_68 = arith.constant 0 : i32
    %scan3A_69 = arith.constant 0 : i32
    %scan3A_70 = arith.constant 32 : i32
    %scan3A_71 = arith.addi %scan3A_69, %scan3A_70 : i32
    %scan3A_72 = arith.constant 1 : i32
    %scan3A_73 = scf.for %scan3A_308 = %scan3A_69 to %scan3A_71 step %scan3A_72 iter_args(%scan3A_309 = %scan3A_68) -> (i32)  : i32 {
      %mul3A_310 = arith.constant 16 : i32
      %mul3A_311 = arith.muli %mul3A_310, %scan3A_308 : i32
      %add3A_312 = arith.constant 512 : i32
      %add3A_313 = arith.addi %add3A_312, %mul3A_311 : i32
      %get3A = arith.index_cast %add3A_313 : i32 to index
      %get3A_314 = tpu.vector_load %arg7[%get3A] {strides = array<i32>} : memref<1536xi32, #tpu.memory_space<vmem>>, vector<16xi32>,
      %add3A_315 = arith.constant 1536 : i32
      %add3A_316 = arith.addi %add3A_315, %mul3A_311 : i32
      %add3A_317 = vector.broadcast %add3A_316 : i32 to vector<16xi32>
      %add3A_318 = arith.addi %add3A_317, %iota3A : vector<16xi32>
      %and3A = arith.constant 7 : i32
      %and3A_319 = vector.broadcast %and3A : i32 to vector<16xi32>
      %and3A_320 = arith.andi %get3A_314, %and3A_319 : vector<16xi32>
      %gather3A = tpu.vector_load_idx %arg9[%add3A_318, %and3A_320] : memref<9216x8xf32, #tpu.memory_space<vmem>>[vector<16xi32>, vector<16xi32>], vector<16xf32>,
      %shift_right_arithmetic3A = arith.constant 3 : i32
      %shift_right_arithmetic3A_321 = arith.shrsi %scan3A_308, %shift_right_arithmetic3A : i32
      %and3A_322 = arith.constant 7 : i32
      %and3A_323 = arith.andi %scan3A_308, %and3A_322 : i32
      %mul3A_324 = arith.constant 16 : i32
      %mul3A_325 = arith.muli %mul3A_324, %and3A_323 : i32
      %add3A_326 = arith.constant 0 : i32
      %add3A_327 = arith.addi %add3A_326, %mul3A_325 : i32
      %swap3A = arith.constant 1 : i32
      %swap3A_328 = arith.index_cast %swap3A : i32 to index
      %swap3A_329 = arith.index_cast %shift_right_arithmetic3A_321 : i32 to index
      %swap3A_330 = arith.index_cast %add3A_327 : i32 to index
      %swap3A_331 = tpu.vector_load %arg10[%swap3A_328, %swap3A_329, %swap3A_330] {strides = array<i32>} : memref<6x4x512xf32, #tpu.memory_space<vmem>>, vector<16xf32>,
      tpu.vector_store %arg10[%swap3A_328, %swap3A_329, %swap3A_330], %gather3A {strides = array<i32>} : memref<6x4x512xf32, #tpu.memory_space<vmem>>, vector<16xf32>,
      %scan3A_332 = arith.constant 0 : i32
      scf.yield %scan3A_332 : i32
    }
    %scan3A_74 = arith.constant 32 : i32
    %dma_wait3A_75 = arith.constant 2048 : i32
    %dma_wait3A_76 = arith.constant 0 : i32
    %dma_wait3A_77 = tpu.memref_slice %arg9[%dma_wait3A_75, %dma_wait3A_76] : memref<9216x8xf32, #tpu.memory_space<vmem>> -> memref<512x8xf32, #tpu.memory_space<vmem>>
    %dma_wait3A_78 = arith.constant 2048 : i32
    %dma_wait3A_79 = tpu.memref_slice %arg8[%dma_wait3A_78] : memref<9216xi32, #tpu.memory_space<vmem>> -> memref<512xi32, #tpu.memory_space<vmem>>
    %dma_wait3A_80 = arith.constant 0 : i32
    %dma_wait3A_81 = arith.constant 0 : i32
    %dma_wait3A_82 = tpu.memref_slice %arg2[%dma_wait3A_80, %dma_wait3A_81] : memref<600576x8xf32, #tpu.memory_space<hbm>> -> memref<600576x8xf32, #tpu.memory_space<hbm>>
    tpu.wait_indirect_dma semaphore(%arg11 : memref<!tpu.dma_semaphore, #tpu.memory_space<semaphore_mem>>) src(%dma_wait3A_82 : memref<600576x8xf32, #tpu.memory_space<hbm>>) dst(%dma_wait3A_77 : memref<512x8xf32, #tpu.memory_space<vmem>>)
    %scan3A_83 = arith.constant 0 : i32
    %scan3A_84 = arith.constant 0 : i32
    %scan3A_85 = arith.constant 32 : i32
    %scan3A_86 = arith.addi %scan3A_84, %scan3A_85 : i32
    %scan3A_87 = arith.constant 1 : i32
    %scan3A_88 = scf.for %scan3A_308 = %scan3A_84 to %scan3A_86 step %scan3A_87 iter_args(%scan3A_309 = %scan3A_83) -> (i32)  : i32 {
      %mul3A_310 = arith.constant 16 : i32
      %mul3A_311 = arith.muli %mul3A_310, %scan3A_308 : i32
      %add3A_312 = arith.constant 512 : i32
      %add3A_313 = arith.addi %add3A_312, %mul3A_311 : i32
      %get3A = arith.index_cast %add3A_313 : i32 to index
      %get3A_314 = tpu.vector_load %arg7[%get3A] {strides = array<i32>} : memref<1536xi32, #tpu.memory_space<vmem>>, vector<16xi32>,
      %add3A_315 = arith.constant 2048 : i32
      %add3A_316 = arith.addi %add3A_315, %mul3A_311 : i32
      %add3A_317 = vector.broadcast %add3A_316 : i32 to vector<16xi32>
      %add3A_318 = arith.addi %add3A_317, %iota3A : vector<16xi32>
      %and3A = arith.constant 7 : i32
      %and3A_319 = vector.broadcast %and3A : i32 to vector<16xi32>
      %and3A_320 = arith.andi %get3A_314, %and3A_319 : vector<16xi32>
      %gather3A = tpu.vector_load_idx %arg9[%add3A_318, %and3A_320] : memref<9216x8xf32, #tpu.memory_space<vmem>>[vector<16xi32>, vector<16xi32>], vector<16xf32>,
      %shift_right_arithmetic3A = arith.constant 3 : i32
      %shift_right_arithmetic3A_321 = arith.shrsi %scan3A_308, %shift_right_arithmetic3A : i32
      %and3A_322 = arith.constant 7 : i32
      %and3A_323 = arith.andi %scan3A_308, %and3A_322 : i32
      %mul3A_324 = arith.constant 16 : i32
      %mul3A_325 = arith.muli %mul3A_324, %and3A_323 : i32
      %add3A_326 = arith.constant 128 : i32
      %add3A_327 = arith.addi %add3A_326, %mul3A_325 : i32
      %swap3A = arith.constant 1 : i32
      %swap3A_328 = arith.index_cast %swap3A : i32 to index
      %swap3A_329 = arith.index_cast %shift_right_arithmetic3A_321 : i32 to index
      %swap3A_330 = arith.index_cast %add3A_327 : i32 to index
      %swap3A_331 = tpu.vector_load %arg10[%swap3A_328, %swap3A_329, %swap3A_330] {strides = array<i32>} : memref<6x4x512xf32, #tpu.memory_space<vmem>>, vector<16xf32>,
      tpu.vector_store %arg10[%swap3A_328, %swap3A_329, %swap3A_330], %gather3A {strides = array<i32>} : memref<6x4x512xf32, #tpu.memory_space<vmem>>, vector<16xf32>,
      %scan3A_332 = arith.constant 0 : i32
      scf.yield %scan3A_332 : i32
    }
    %scan3A_89 = arith.constant 32 : i32
    %dma_wait3A_90 = arith.constant 2560 : i32
    %dma_wait3A_91 = arith.constant 0 : i32
    %dma_wait3A_92 = tpu.memref_slice %arg9[%dma_wait3A_90, %dma_wait3A_91] : memref<9216x8xf32, #tpu.memory_space<vmem>> -> memref<512x8xf32, #tpu.memory_space<vmem>>
    %dma_wait3A_93 = arith.constant 2560 : i32
    %dma_wait3A_94 = tpu.memref_slice %arg8[%dma_wait3A_93] : memref<9216xi32, #tpu.memory_space<vmem>> -> memref<512xi32, #tpu.memory_space<vmem>>
    %dma_wait3A_95 = arith.constant 0 : i32
    %dma_wait3A_96 = arith.constant 0 : i32
    %dma_wait3A_97 = tpu.memref_slice %arg2[%dma_wait3A_95, %dma_wait3A_96] : memref<600576x8xf32, #tpu.memory_space<hbm>> -> memref<600576x8xf32, #tpu.memory_space<hbm>>
    tpu.wait_indirect_dma semaphore(%arg11 : memref<!tpu.dma_semaphore, #tpu.memory_space<semaphore_mem>>) src(%dma_wait3A_97 : memref<600576x8xf32, #tpu.memory_space<hbm>>) dst(%dma_wait3A_92 : memref<512x8xf32, #tpu.memory_space<vmem>>)
    %scan3A_98 = arith.constant 0 : i32
    %scan3A_99 = arith.constant 0 : i32
    %scan3A_100 = arith.constant 32 : i32
    %scan3A_101 = arith.addi %scan3A_99, %scan3A_100 : i32
    %scan3A_102 = arith.constant 1 : i32
    %scan3A_103 = scf.for %scan3A_308 = %scan3A_99 to %scan3A_101 step %scan3A_102 iter_args(%scan3A_309 = %scan3A_98) -> (i32)  : i32 {
      %mul3A_310 = arith.constant 16 : i32
      %mul3A_311 = arith.muli %mul3A_310, %scan3A_308 : i32
      %add3A_312 = arith.constant 512 : i32
      %add3A_313 = arith.addi %add3A_312, %mul3A_311 : i32
      %get3A = arith.index_cast %add3A_313 : i32 to index
      %get3A_314 = tpu.vector_load %arg7[%get3A] {strides = array<i32>} : memref<1536xi32, #tpu.memory_space<vmem>>, vector<16xi32>,
      %add3A_315 = arith.constant 2560 : i32
      %add3A_316 = arith.addi %add3A_315, %mul3A_311 : i32
      %add3A_317 = vector.broadcast %add3A_316 : i32 to vector<16xi32>
      %add3A_318 = arith.addi %add3A_317, %iota3A : vector<16xi32>
      %and3A = arith.constant 7 : i32
      %and3A_319 = vector.broadcast %and3A : i32 to vector<16xi32>
      %and3A_320 = arith.andi %get3A_314, %and3A_319 : vector<16xi32>
      %gather3A = tpu.vector_load_idx %arg9[%add3A_318, %and3A_320] : memref<9216x8xf32, #tpu.memory_space<vmem>>[vector<16xi32>, vector<16xi32>], vector<16xf32>,
      %shift_right_arithmetic3A = arith.constant 3 : i32
      %shift_right_arithmetic3A_321 = arith.shrsi %scan3A_308, %shift_right_arithmetic3A : i32
      %and3A_322 = arith.constant 7 : i32
      %and3A_323 = arith.andi %scan3A_308, %and3A_322 : i32
      %mul3A_324 = arith.constant 16 : i32
      %mul3A_325 = arith.muli %mul3A_324, %and3A_323 : i32
      %add3A_326 = arith.constant 256 : i32
      %add3A_327 = arith.addi %add3A_326, %mul3A_325 : i32
      %swap3A = arith.constant 1 : i32
      %swap3A_328 = arith.index_cast %swap3A : i32 to index
      %swap3A_329 = arith.index_cast %shift_right_arithmetic3A_321 : i32 to index
      %swap3A_330 = arith.index_cast %add3A_327 : i32 to index
      %swap3A_331 = tpu.vector_load %arg10[%swap3A_328, %swap3A_329, %swap3A_330] {strides = array<i32>} : memref<6x4x512xf32, #tpu.memory_space<vmem>>, vector<16xf32>,
      tpu.vector_store %arg10[%swap3A_328, %swap3A_329, %swap3A_330], %gather3A {strides = array<i32>} : memref<6x4x512xf32, #tpu.memory_space<vmem>>, vector<16xf32>,
      %scan3A_332 = arith.constant 0 : i32
      scf.yield %scan3A_332 : i32
    }
    %scan3A_104 = arith.constant 32 : i32
    %dma_wait3A_105 = arith.constant 3072 : i32
    %dma_wait3A_106 = arith.constant 0 : i32
    %dma_wait3A_107 = tpu.memref_slice %arg9[%dma_wait3A_105, %dma_wait3A_106] : memref<9216x8xf32, #tpu.memory_space<vmem>> -> memref<512x8xf32, #tpu.memory_space<vmem>>
    %dma_wait3A_108 = arith.constant 3072 : i32
    %dma_wait3A_109 = tpu.memref_slice %arg8[%dma_wait3A_108] : memref<9216xi32, #tpu.memory_space<vmem>> -> memref<512xi32, #tpu.memory_space<vmem>>
    %dma_wait3A_110 = arith.constant 0 : i32
    %dma_wait3A_111 = arith.constant 0 : i32
    %dma_wait3A_112 = tpu.memref_slice %arg2[%dma_wait3A_110, %dma_wait3A_111] : memref<600576x8xf32, #tpu.memory_space<hbm>> -> memref<600576x8xf32, #tpu.memory_space<hbm>>
    tpu.wait_indirect_dma semaphore(%arg11 : memref<!tpu.dma_semaphore, #tpu.memory_space<semaphore_mem>>) src(%dma_wait3A_112 : memref<600576x8xf32, #tpu.memory_space<hbm>>) dst(%dma_wait3A_107 : memref<512x8xf32, #tpu.memory_space<vmem>>)
    %scan3A_113 = arith.constant 0 : i32
    %scan3A_114 = arith.constant 0 : i32
    %scan3A_115 = arith.constant 32 : i32
    %scan3A_116 = arith.addi %scan3A_114, %scan3A_115 : i32
    %scan3A_117 = arith.constant 1 : i32
    %scan3A_118 = scf.for %scan3A_308 = %scan3A_114 to %scan3A_116 step %scan3A_117 iter_args(%scan3A_309 = %scan3A_113) -> (i32)  : i32 {
      %mul3A_310 = arith.constant 16 : i32
      %mul3A_311 = arith.muli %mul3A_310, %scan3A_308 : i32
      %add3A_312 = arith.constant 1024 : i32
      %add3A_313 = arith.addi %add3A_312, %mul3A_311 : i32
      %get3A = arith.index_cast %add3A_313 : i32 to index
      %get3A_314 = tpu.vector_load %arg7[%get3A] {strides = array<i32>} : memref<1536xi32, #tpu.memory_space<vmem>>, vector<16xi32>,
      %add3A_315 = arith.constant 3072 : i32
      %add3A_316 = arith.addi %add3A_315, %mul3A_311 : i32
      %add3A_317 = vector.broadcast %add3A_316 : i32 to vector<16xi32>
      %add3A_318 = arith.addi %add3A_317, %iota3A : vector<16xi32>
      %and3A = arith.constant 7 : i32
      %and3A_319 = vector.broadcast %and3A : i32 to vector<16xi32>
      %and3A_320 = arith.andi %get3A_314, %and3A_319 : vector<16xi32>
      %gather3A = tpu.vector_load_idx %arg9[%add3A_318, %and3A_320] : memref<9216x8xf32, #tpu.memory_space<vmem>>[vector<16xi32>, vector<16xi32>], vector<16xf32>,
      %shift_right_arithmetic3A = arith.constant 3 : i32
      %shift_right_arithmetic3A_321 = arith.shrsi %scan3A_308, %shift_right_arithmetic3A : i32
      %and3A_322 = arith.constant 7 : i32
      %and3A_323 = arith.andi %scan3A_308, %and3A_322 : i32
      %mul3A_324 = arith.constant 16 : i32
      %mul3A_325 = arith.muli %mul3A_324, %and3A_323 : i32
      %add3A_326 = arith.constant 0 : i32
      %add3A_327 = arith.addi %add3A_326, %mul3A_325 : i32
      %swap3A = arith.constant 2 : i32
      %swap3A_328 = arith.index_cast %swap3A : i32 to index
      %swap3A_329 = arith.index_cast %shift_right_arithmetic3A_321 : i32 to index
      %swap3A_330 = arith.index_cast %add3A_327 : i32 to index
      %swap3A_331 = tpu.vector_load %arg10[%swap3A_328, %swap3A_329, %swap3A_330] {strides = array<i32>} : memref<6x4x512xf32, #tpu.memory_space<vmem>>, vector<16xf32>,
      tpu.vector_store %arg10[%swap3A_328, %swap3A_329, %swap3A_330], %gather3A {strides = array<i32>} : memref<6x4x512xf32, #tpu.memory_space<vmem>>, vector<16xf32>,
      %scan3A_332 = arith.constant 0 : i32
      scf.yield %scan3A_332 : i32
    }
    %scan3A_119 = arith.constant 32 : i32
    %dma_wait3A_120 = arith.constant 3584 : i32
    %dma_wait3A_121 = arith.constant 0 : i32
    %dma_wait3A_122 = tpu.memref_slice %arg9[%dma_wait3A_120, %dma_wait3A_121] : memref<9216x8xf32, #tpu.memory_space<vmem>> -> memref<512x8xf32, #tpu.memory_space<vmem>>
    %dma_wait3A_123 = arith.constant 3584 : i32
    %dma_wait3A_124 = tpu.memref_slice %arg8[%dma_wait3A_123] : memref<9216xi32, #tpu.memory_space<vmem>> -> memref<512xi32, #tpu.memory_space<vmem>>
    %dma_wait3A_125 = arith.constant 0 : i32
    %dma_wait3A_126 = arith.constant 0 : i32
    %dma_wait3A_127 = tpu.memref_slice %arg2[%dma_wait3A_125, %dma_wait3A_126] : memref<600576x8xf32, #tpu.memory_space<hbm>> -> memref<600576x8xf32, #tpu.memory_space<hbm>>
    tpu.wait_indirect_dma semaphore(%arg11 : memref<!tpu.dma_semaphore, #tpu.memory_space<semaphore_mem>>) src(%dma_wait3A_127 : memref<600576x8xf32, #tpu.memory_space<hbm>>) dst(%dma_wait3A_122 : memref<512x8xf32, #tpu.memory_space<vmem>>)
    %scan3A_128 = arith.constant 0 : i32
    %scan3A_129 = arith.constant 0 : i32
    %scan3A_130 = arith.constant 32 : i32
    %scan3A_131 = arith.addi %scan3A_129, %scan3A_130 : i32
    %scan3A_132 = arith.constant 1 : i32
    %scan3A_133 = scf.for %scan3A_308 = %scan3A_129 to %scan3A_131 step %scan3A_132 iter_args(%scan3A_309 = %scan3A_128) -> (i32)  : i32 {
      %mul3A_310 = arith.constant 16 : i32
      %mul3A_311 = arith.muli %mul3A_310, %scan3A_308 : i32
      %add3A_312 = arith.constant 1024 : i32
      %add3A_313 = arith.addi %add3A_312, %mul3A_311 : i32
      %get3A = arith.index_cast %add3A_313 : i32 to index
      %get3A_314 = tpu.vector_load %arg7[%get3A] {strides = array<i32>} : memref<1536xi32, #tpu.memory_space<vmem>>, vector<16xi32>,
      %add3A_315 = arith.constant 3584 : i32
      %add3A_316 = arith.addi %add3A_315, %mul3A_311 : i32
      %add3A_317 = vector.broadcast %add3A_316 : i32 to vector<16xi32>
      %add3A_318 = arith.addi %add3A_317, %iota3A : vector<16xi32>
      %and3A = arith.constant 7 : i32
      %and3A_319 = vector.broadcast %and3A : i32 to vector<16xi32>
      %and3A_320 = arith.andi %get3A_314, %and3A_319 : vector<16xi32>
      %gather3A = tpu.vector_load_idx %arg9[%add3A_318, %and3A_320] : memref<9216x8xf32, #tpu.memory_space<vmem>>[vector<16xi32>, vector<16xi32>], vector<16xf32>,
      %shift_right_arithmetic3A = arith.constant 3 : i32
      %shift_right_arithmetic3A_321 = arith.shrsi %scan3A_308, %shift_right_arithmetic3A : i32
      %and3A_322 = arith.constant 7 : i32
      %and3A_323 = arith.andi %scan3A_308, %and3A_322 : i32
      %mul3A_324 = arith.constant 16 : i32
      %mul3A_325 = arith.muli %mul3A_324, %and3A_323 : i32
      %add3A_326 = arith.constant 128 : i32
      %add3A_327 = arith.addi %add3A_326, %mul3A_325 : i32
      %swap3A = arith.constant 2 : i32
      %swap3A_328 = arith.index_cast %swap3A : i32 to index
      %swap3A_329 = arith.index_cast %shift_right_arithmetic3A_321 : i32 to index
      %swap3A_330 = arith.index_cast %add3A_327 : i32 to index
      %swap3A_331 = tpu.vector_load %arg10[%swap3A_328, %swap3A_329, %swap3A_330] {strides = array<i32>} : memref<6x4x512xf32, #tpu.memory_space<vmem>>, vector<16xf32>,
      tpu.vector_store %arg10[%swap3A_328, %swap3A_329, %swap3A_330], %gather3A {strides = array<i32>} : memref<6x4x512xf32, #tpu.memory_space<vmem>>, vector<16xf32>,
      %scan3A_332 = arith.constant 0 : i32
      scf.yield %scan3A_332 : i32
    }
    %scan3A_134 = arith.constant 32 : i32
    %dma_wait3A_135 = arith.constant 4096 : i32
    %dma_wait3A_136 = arith.constant 0 : i32
    %dma_wait3A_137 = tpu.memref_slice %arg9[%dma_wait3A_135, %dma_wait3A_136] : memref<9216x8xf32, #tpu.memory_space<vmem>> -> memref<512x8xf32, #tpu.memory_space<vmem>>
    %dma_wait3A_138 = arith.constant 4096 : i32
    %dma_wait3A_139 = tpu.memref_slice %arg8[%dma_wait3A_138] : memref<9216xi32, #tpu.memory_space<vmem>> -> memref<512xi32, #tpu.memory_space<vmem>>
    %dma_wait3A_140 = arith.constant 0 : i32
    %dma_wait3A_141 = arith.constant 0 : i32
    %dma_wait3A_142 = tpu.memref_slice %arg2[%dma_wait3A_140, %dma_wait3A_141] : memref<600576x8xf32, #tpu.memory_space<hbm>> -> memref<600576x8xf32, #tpu.memory_space<hbm>>
    tpu.wait_indirect_dma semaphore(%arg11 : memref<!tpu.dma_semaphore, #tpu.memory_space<semaphore_mem>>) src(%dma_wait3A_142 : memref<600576x8xf32, #tpu.memory_space<hbm>>) dst(%dma_wait3A_137 : memref<512x8xf32, #tpu.memory_space<vmem>>)
    %scan3A_143 = arith.constant 0 : i32
    %scan3A_144 = arith.constant 0 : i32
    %scan3A_145 = arith.constant 32 : i32
    %scan3A_146 = arith.addi %scan3A_144, %scan3A_145 : i32
    %scan3A_147 = arith.constant 1 : i32
    %scan3A_148 = scf.for %scan3A_308 = %scan3A_144 to %scan3A_146 step %scan3A_147 iter_args(%scan3A_309 = %scan3A_143) -> (i32)  : i32 {
      %mul3A_310 = arith.constant 16 : i32
      %mul3A_311 = arith.muli %mul3A_310, %scan3A_308 : i32
      %add3A_312 = arith.constant 1024 : i32
      %add3A_313 = arith.addi %add3A_312, %mul3A_311 : i32
      %get3A = arith.index_cast %add3A_313 : i32 to index
      %get3A_314 = tpu.vector_load %arg7[%get3A] {strides = array<i32>} : memref<1536xi32, #tpu.memory_space<vmem>>, vector<16xi32>,
      %add3A_315 = arith.constant 4096 : i32
      %add3A_316 = arith.addi %add3A_315, %mul3A_311 : i32
      %add3A_317 = vector.broadcast %add3A_316 : i32 to vector<16xi32>
      %add3A_318 = arith.addi %add3A_317, %iota3A : vector<16xi32>
      %and3A = arith.constant 7 : i32
      %and3A_319 = vector.broadcast %and3A : i32 to vector<16xi32>
      %and3A_320 = arith.andi %get3A_314, %and3A_319 : vector<16xi32>
      %gather3A = tpu.vector_load_idx %arg9[%add3A_318, %and3A_320] : memref<9216x8xf32, #tpu.memory_space<vmem>>[vector<16xi32>, vector<16xi32>], vector<16xf32>,
      %shift_right_arithmetic3A = arith.constant 3 : i32
      %shift_right_arithmetic3A_321 = arith.shrsi %scan3A_308, %shift_right_arithmetic3A : i32
      %and3A_322 = arith.constant 7 : i32
      %and3A_323 = arith.andi %scan3A_308, %and3A_322 : i32
      %mul3A_324 = arith.constant 16 : i32
      %mul3A_325 = arith.muli %mul3A_324, %and3A_323 : i32
      %add3A_326 = arith.constant 256 : i32
      %add3A_327 = arith.addi %add3A_326, %mul3A_325 : i32
      %swap3A = arith.constant 2 : i32
      %swap3A_328 = arith.index_cast %swap3A : i32 to index
      %swap3A_329 = arith.index_cast %shift_right_arithmetic3A_321 : i32 to index
      %swap3A_330 = arith.index_cast %add3A_327 : i32 to index
      %swap3A_331 = tpu.vector_load %arg10[%swap3A_328, %swap3A_329, %swap3A_330] {strides = array<i32>} : memref<6x4x512xf32, #tpu.memory_space<vmem>>, vector<16xf32>,
      tpu.vector_store %arg10[%swap3A_328, %swap3A_329, %swap3A_330], %gather3A {strides = array<i32>} : memref<6x4x512xf32, #tpu.memory_space<vmem>>, vector<16xf32>,
      %scan3A_332 = arith.constant 0 : i32
      scf.yield %scan3A_332 : i32
    }
    %scan3A_149 = arith.constant 32 : i32
    %dma_wait3A_150 = arith.constant 4608 : i32
    %dma_wait3A_151 = arith.constant 0 : i32
    %dma_wait3A_152 = tpu.memref_slice %arg9[%dma_wait3A_150, %dma_wait3A_151] : memref<9216x8xf32, #tpu.memory_space<vmem>> -> memref<512x8xf32, #tpu.memory_space<vmem>>
    %dma_wait3A_153 = arith.constant 4608 : i32
    %dma_wait3A_154 = tpu.memref_slice %arg8[%dma_wait3A_153] : memref<9216xi32, #tpu.memory_space<vmem>> -> memref<512xi32, #tpu.memory_space<vmem>>
    %dma_wait3A_155 = arith.constant 0 : i32
    %dma_wait3A_156 = arith.constant 0 : i32
    %dma_wait3A_157 = tpu.memref_slice %arg2[%dma_wait3A_155, %dma_wait3A_156] : memref<600576x8xf32, #tpu.memory_space<hbm>> -> memref<600576x8xf32, #tpu.memory_space<hbm>>
    tpu.wait_indirect_dma semaphore(%arg11 : memref<!tpu.dma_semaphore, #tpu.memory_space<semaphore_mem>>) src(%dma_wait3A_157 : memref<600576x8xf32, #tpu.memory_space<hbm>>) dst(%dma_wait3A_152 : memref<512x8xf32, #tpu.memory_space<vmem>>)
    %scan3A_158 = arith.constant 0 : i32
    %scan3A_159 = arith.constant 0 : i32
    %scan3A_160 = arith.constant 32 : i32
    %scan3A_161 = arith.addi %scan3A_159, %scan3A_160 : i32
    %scan3A_162 = arith.constant 1 : i32
    %scan3A_163 = scf.for %scan3A_308 = %scan3A_159 to %scan3A_161 step %scan3A_162 iter_args(%scan3A_309 = %scan3A_158) -> (i32)  : i32 {
      %mul3A_310 = arith.constant 16 : i32
      %mul3A_311 = arith.muli %mul3A_310, %scan3A_308 : i32
      %add3A_312 = arith.constant 0 : i32
      %add3A_313 = arith.addi %add3A_312, %mul3A_311 : i32
      %get3A = arith.index_cast %add3A_313 : i32 to index
      %get3A_314 = tpu.vector_load %arg7[%get3A] {strides = array<i32>} : memref<1536xi32, #tpu.memory_space<vmem>>, vector<16xi32>,
      %add3A_315 = arith.constant 4608 : i32
      %add3A_316 = arith.addi %add3A_315, %mul3A_311 : i32
      %add3A_317 = vector.broadcast %add3A_316 : i32 to vector<16xi32>
      %add3A_318 = arith.addi %add3A_317, %iota3A : vector<16xi32>
      %and3A = arith.constant 7 : i32
      %and3A_319 = vector.broadcast %and3A : i32 to vector<16xi32>
      %and3A_320 = arith.andi %get3A_314, %and3A_319 : vector<16xi32>
      %gather3A = tpu.vector_load_idx %arg9[%add3A_318, %and3A_320] : memref<9216x8xf32, #tpu.memory_space<vmem>>[vector<16xi32>, vector<16xi32>], vector<16xf32>,
      %shift_right_arithmetic3A = arith.constant 3 : i32
      %shift_right_arithmetic3A_321 = arith.shrsi %scan3A_308, %shift_right_arithmetic3A : i32
      %and3A_322 = arith.constant 7 : i32
      %and3A_323 = arith.andi %scan3A_308, %and3A_322 : i32
      %mul3A_324 = arith.constant 16 : i32
      %mul3A_325 = arith.muli %mul3A_324, %and3A_323 : i32
      %add3A_326 = arith.constant 0 : i32
      %add3A_327 = arith.addi %add3A_326, %mul3A_325 : i32
      %swap3A = arith.constant 3 : i32
      %swap3A_328 = arith.index_cast %swap3A : i32 to index
      %swap3A_329 = arith.index_cast %shift_right_arithmetic3A_321 : i32 to index
      %swap3A_330 = arith.index_cast %add3A_327 : i32 to index
      %swap3A_331 = tpu.vector_load %arg10[%swap3A_328, %swap3A_329, %swap3A_330] {strides = array<i32>} : memref<6x4x512xf32, #tpu.memory_space<vmem>>, vector<16xf32>,
      tpu.vector_store %arg10[%swap3A_328, %swap3A_329, %swap3A_330], %gather3A {strides = array<i32>} : memref<6x4x512xf32, #tpu.memory_space<vmem>>, vector<16xf32>,
      %scan3A_332 = arith.constant 0 : i32
      scf.yield %scan3A_332 : i32
    }
    %scan3A_164 = arith.constant 32 : i32
    %dma_wait3A_165 = arith.constant 5120 : i32
    %dma_wait3A_166 = arith.constant 0 : i32
    %dma_wait3A_167 = tpu.memref_slice %arg9[%dma_wait3A_165, %dma_wait3A_166] : memref<9216x8xf32, #tpu.memory_space<vmem>> -> memref<512x8xf32, #tpu.memory_space<vmem>>
    %dma_wait3A_168 = arith.constant 5120 : i32
    %dma_wait3A_169 = tpu.memref_slice %arg8[%dma_wait3A_168] : memref<9216xi32, #tpu.memory_space<vmem>> -> memref<512xi32, #tpu.memory_space<vmem>>
    %dma_wait3A_170 = arith.constant 0 : i32
    %dma_wait3A_171 = arith.constant 0 : i32
    %dma_wait3A_172 = tpu.memref_slice %arg2[%dma_wait3A_170, %dma_wait3A_171] : memref<600576x8xf32, #tpu.memory_space<hbm>> -> memref<600576x8xf32, #tpu.memory_space<hbm>>
    tpu.wait_indirect_dma semaphore(%arg11 : memref<!tpu.dma_semaphore, #tpu.memory_space<semaphore_mem>>) src(%dma_wait3A_172 : memref<600576x8xf32, #tpu.memory_space<hbm>>) dst(%dma_wait3A_167 : memref<512x8xf32, #tpu.memory_space<vmem>>)
    %scan3A_173 = arith.constant 0 : i32
    %scan3A_174 = arith.constant 0 : i32
    %scan3A_175 = arith.constant 32 : i32
    %scan3A_176 = arith.addi %scan3A_174, %scan3A_175 : i32
    %scan3A_177 = arith.constant 1 : i32
    %scan3A_178 = scf.for %scan3A_308 = %scan3A_174 to %scan3A_176 step %scan3A_177 iter_args(%scan3A_309 = %scan3A_173) -> (i32)  : i32 {
      %mul3A_310 = arith.constant 16 : i32
      %mul3A_311 = arith.muli %mul3A_310, %scan3A_308 : i32
      %add3A_312 = arith.constant 0 : i32
      %add3A_313 = arith.addi %add3A_312, %mul3A_311 : i32
      %get3A = arith.index_cast %add3A_313 : i32 to index
      %get3A_314 = tpu.vector_load %arg7[%get3A] {strides = array<i32>} : memref<1536xi32, #tpu.memory_space<vmem>>, vector<16xi32>,
      %add3A_315 = arith.constant 5120 : i32
      %add3A_316 = arith.addi %add3A_315, %mul3A_311 : i32
      %add3A_317 = vector.broadcast %add3A_316 : i32 to vector<16xi32>
      %add3A_318 = arith.addi %add3A_317, %iota3A : vector<16xi32>
      %and3A = arith.constant 7 : i32
      %and3A_319 = vector.broadcast %and3A : i32 to vector<16xi32>
      %and3A_320 = arith.andi %get3A_314, %and3A_319 : vector<16xi32>
      %gather3A = tpu.vector_load_idx %arg9[%add3A_318, %and3A_320] : memref<9216x8xf32, #tpu.memory_space<vmem>>[vector<16xi32>, vector<16xi32>], vector<16xf32>,
      %shift_right_arithmetic3A = arith.constant 3 : i32
      %shift_right_arithmetic3A_321 = arith.shrsi %scan3A_308, %shift_right_arithmetic3A : i32
      %and3A_322 = arith.constant 7 : i32
      %and3A_323 = arith.andi %scan3A_308, %and3A_322 : i32
      %mul3A_324 = arith.constant 16 : i32
      %mul3A_325 = arith.muli %mul3A_324, %and3A_323 : i32
      %add3A_326 = arith.constant 128 : i32
      %add3A_327 = arith.addi %add3A_326, %mul3A_325 : i32
      %swap3A = arith.constant 3 : i32
      %swap3A_328 = arith.index_cast %swap3A : i32 to index
      %swap3A_329 = arith.index_cast %shift_right_arithmetic3A_321 : i32 to index
      %swap3A_330 = arith.index_cast %add3A_327 : i32 to index
      %swap3A_331 = tpu.vector_load %arg10[%swap3A_328, %swap3A_329, %swap3A_330] {strides = array<i32>} : memref<6x4x512xf32, #tpu.memory_space<vmem>>, vector<16xf32>,
      tpu.vector_store %arg10[%swap3A_328, %swap3A_329, %swap3A_330], %gather3A {strides = array<i32>} : memref<6x4x512xf32, #tpu.memory_space<vmem>>, vector<16xf32>,
      %scan3A_332 = arith.constant 0 : i32
      scf.yield %scan3A_332 : i32
    }
    %scan3A_179 = arith.constant 32 : i32
    %dma_wait3A_180 = arith.constant 5632 : i32
    %dma_wait3A_181 = arith.constant 0 : i32
    %dma_wait3A_182 = tpu.memref_slice %arg9[%dma_wait3A_180, %dma_wait3A_181] : memref<9216x8xf32, #tpu.memory_space<vmem>> -> memref<512x8xf32, #tpu.memory_space<vmem>>
    %dma_wait3A_183 = arith.constant 5632 : i32
    %dma_wait3A_184 = tpu.memref_slice %arg8[%dma_wait3A_183] : memref<9216xi32, #tpu.memory_space<vmem>> -> memref<512xi32, #tpu.memory_space<vmem>>
    %dma_wait3A_185 = arith.constant 0 : i32
    %dma_wait3A_186 = arith.constant 0 : i32
    %dma_wait3A_187 = tpu.memref_slice %arg2[%dma_wait3A_185, %dma_wait3A_186] : memref<600576x8xf32, #tpu.memory_space<hbm>> -> memref<600576x8xf32, #tpu.memory_space<hbm>>
    tpu.wait_indirect_dma semaphore(%arg11 : memref<!tpu.dma_semaphore, #tpu.memory_space<semaphore_mem>>) src(%dma_wait3A_187 : memref<600576x8xf32, #tpu.memory_space<hbm>>) dst(%dma_wait3A_182 : memref<512x8xf32, #tpu.memory_space<vmem>>)
    %scan3A_188 = arith.constant 0 : i32
    %scan3A_189 = arith.constant 0 : i32
    %scan3A_190 = arith.constant 32 : i32
    %scan3A_191 = arith.addi %scan3A_189, %scan3A_190 : i32
    %scan3A_192 = arith.constant 1 : i32
    %scan3A_193 = scf.for %scan3A_308 = %scan3A_189 to %scan3A_191 step %scan3A_192 iter_args(%scan3A_309 = %scan3A_188) -> (i32)  : i32 {
      %mul3A_310 = arith.constant 16 : i32
      %mul3A_311 = arith.muli %mul3A_310, %scan3A_308 : i32
      %add3A_312 = arith.constant 0 : i32
      %add3A_313 = arith.addi %add3A_312, %mul3A_311 : i32
      %get3A = arith.index_cast %add3A_313 : i32 to index
      %get3A_314 = tpu.vector_load %arg7[%get3A] {strides = array<i32>} : memref<1536xi32, #tpu.memory_space<vmem>>, vector<16xi32>,
      %add3A_315 = arith.constant 5632 : i32
      %add3A_316 = arith.addi %add3A_315, %mul3A_311 : i32
      %add3A_317 = vector.broadcast %add3A_316 : i32 to vector<16xi32>
      %add3A_318 = arith.addi %add3A_317, %iota3A : vector<16xi32>
      %and3A = arith.constant 7 : i32
      %and3A_319 = vector.broadcast %and3A : i32 to vector<16xi32>
      %and3A_320 = arith.andi %get3A_314, %and3A_319 : vector<16xi32>
      %gather3A = tpu.vector_load_idx %arg9[%add3A_318, %and3A_320] : memref<9216x8xf32, #tpu.memory_space<vmem>>[vector<16xi32>, vector<16xi32>], vector<16xf32>,
      %shift_right_arithmetic3A = arith.constant 3 : i32
      %shift_right_arithmetic3A_321 = arith.shrsi %scan3A_308, %shift_right_arithmetic3A : i32
      %and3A_322 = arith.constant 7 : i32
      %and3A_323 = arith.andi %scan3A_308, %and3A_322 : i32
      %mul3A_324 = arith.constant 16 : i32
      %mul3A_325 = arith.muli %mul3A_324, %and3A_323 : i32
      %add3A_326 = arith.constant 256 : i32
      %add3A_327 = arith.addi %add3A_326, %mul3A_325 : i32
      %swap3A = arith.constant 3 : i32
      %swap3A_328 = arith.index_cast %swap3A : i32 to index
      %swap3A_329 = arith.index_cast %shift_right_arithmetic3A_321 : i32 to index
      %swap3A_330 = arith.index_cast %add3A_327 : i32 to index
      %swap3A_331 = tpu.vector_load %arg10[%swap3A_328, %swap3A_329, %swap3A_330] {strides = array<i32>} : memref<6x4x512xf32, #tpu.memory_space<vmem>>, vector<16xf32>,
      tpu.vector_store %arg10[%swap3A_328, %swap3A_329, %swap3A_330], %gather3A {strides = array<i32>} : memref<6x4x512xf32, #tpu.memory_space<vmem>>, vector<16xf32>,
      %scan3A_332 = arith.constant 0 : i32
      scf.yield %scan3A_332 : i32
    }
    %scan3A_194 = arith.constant 32 : i32
    %dma_wait3A_195 = arith.constant 6144 : i32
    %dma_wait3A_196 = arith.constant 0 : i32
    %dma_wait3A_197 = tpu.memref_slice %arg9[%dma_wait3A_195, %dma_wait3A_196] : memref<9216x8xf32, #tpu.memory_space<vmem>> -> memref<512x8xf32, #tpu.memory_space<vmem>>
    %dma_wait3A_198 = arith.constant 6144 : i32
    %dma_wait3A_199 = tpu.memref_slice %arg8[%dma_wait3A_198] : memref<9216xi32, #tpu.memory_space<vmem>> -> memref<512xi32, #tpu.memory_space<vmem>>
    %dma_wait3A_200 = arith.constant 0 : i32
    %dma_wait3A_201 = arith.constant 0 : i32
    %dma_wait3A_202 = tpu.memref_slice %arg2[%dma_wait3A_200, %dma_wait3A_201] : memref<600576x8xf32, #tpu.memory_space<hbm>> -> memref<600576x8xf32, #tpu.memory_space<hbm>>
    tpu.wait_indirect_dma semaphore(%arg11 : memref<!tpu.dma_semaphore, #tpu.memory_space<semaphore_mem>>) src(%dma_wait3A_202 : memref<600576x8xf32, #tpu.memory_space<hbm>>) dst(%dma_wait3A_197 : memref<512x8xf32, #tpu.memory_space<vmem>>)
    %scan3A_203 = arith.constant 0 : i32
    %scan3A_204 = arith.constant 0 : i32
    %scan3A_205 = arith.constant 32 : i32
    %scan3A_206 = arith.addi %scan3A_204, %scan3A_205 : i32
    %scan3A_207 = arith.constant 1 : i32
    %scan3A_208 = scf.for %scan3A_308 = %scan3A_204 to %scan3A_206 step %scan3A_207 iter_args(%scan3A_309 = %scan3A_203) -> (i32)  : i32 {
      %mul3A_310 = arith.constant 16 : i32
      %mul3A_311 = arith.muli %mul3A_310, %scan3A_308 : i32
      %add3A_312 = arith.constant 512 : i32
      %add3A_313 = arith.addi %add3A_312, %mul3A_311 : i32
      %get3A = arith.index_cast %add3A_313 : i32 to index
      %get3A_314 = tpu.vector_load %arg7[%get3A] {strides = array<i32>} : memref<1536xi32, #tpu.memory_space<vmem>>, vector<16xi32>,
      %add3A_315 = arith.constant 6144 : i32
      %add3A_316 = arith.addi %add3A_315, %mul3A_311 : i32
      %add3A_317 = vector.broadcast %add3A_316 : i32 to vector<16xi32>
      %add3A_318 = arith.addi %add3A_317, %iota3A : vector<16xi32>
      %and3A = arith.constant 7 : i32
      %and3A_319 = vector.broadcast %and3A : i32 to vector<16xi32>
      %and3A_320 = arith.andi %get3A_314, %and3A_319 : vector<16xi32>
      %gather3A = tpu.vector_load_idx %arg9[%add3A_318, %and3A_320] : memref<9216x8xf32, #tpu.memory_space<vmem>>[vector<16xi32>, vector<16xi32>], vector<16xf32>,
      %shift_right_arithmetic3A = arith.constant 3 : i32
      %shift_right_arithmetic3A_321 = arith.shrsi %scan3A_308, %shift_right_arithmetic3A : i32
      %and3A_322 = arith.constant 7 : i32
      %and3A_323 = arith.andi %scan3A_308, %and3A_322 : i32
      %mul3A_324 = arith.constant 16 : i32
      %mul3A_325 = arith.muli %mul3A_324, %and3A_323 : i32
      %add3A_326 = arith.constant 0 : i32
      %add3A_327 = arith.addi %add3A_326, %mul3A_325 : i32
      %swap3A = arith.constant 4 : i32
      %swap3A_328 = arith.index_cast %swap3A : i32 to index
      %swap3A_329 = arith.index_cast %shift_right_arithmetic3A_321 : i32 to index
      %swap3A_330 = arith.index_cast %add3A_327 : i32 to index
      %swap3A_331 = tpu.vector_load %arg10[%swap3A_328, %swap3A_329, %swap3A_330] {strides = array<i32>} : memref<6x4x512xf32, #tpu.memory_space<vmem>>, vector<16xf32>,
      tpu.vector_store %arg10[%swap3A_328, %swap3A_329, %swap3A_330], %gather3A {strides = array<i32>} : memref<6x4x512xf32, #tpu.memory_space<vmem>>, vector<16xf32>,
      %scan3A_332 = arith.constant 0 : i32
      scf.yield %scan3A_332 : i32
    }
    %scan3A_209 = arith.constant 32 : i32
    %dma_wait3A_210 = arith.constant 6656 : i32
    %dma_wait3A_211 = arith.constant 0 : i32
    %dma_wait3A_212 = tpu.memref_slice %arg9[%dma_wait3A_210, %dma_wait3A_211] : memref<9216x8xf32, #tpu.memory_space<vmem>> -> memref<512x8xf32, #tpu.memory_space<vmem>>
    %dma_wait3A_213 = arith.constant 6656 : i32
    %dma_wait3A_214 = tpu.memref_slice %arg8[%dma_wait3A_213] : memref<9216xi32, #tpu.memory_space<vmem>> -> memref<512xi32, #tpu.memory_space<vmem>>
    %dma_wait3A_215 = arith.constant 0 : i32
    %dma_wait3A_216 = arith.constant 0 : i32
    %dma_wait3A_217 = tpu.memref_slice %arg2[%dma_wait3A_215, %dma_wait3A_216] : memref<600576x8xf32, #tpu.memory_space<hbm>> -> memref<600576x8xf32, #tpu.memory_space<hbm>>
    tpu.wait_indirect_dma semaphore(%arg11 : memref<!tpu.dma_semaphore, #tpu.memory_space<semaphore_mem>>) src(%dma_wait3A_217 : memref<600576x8xf32, #tpu.memory_space<hbm>>) dst(%dma_wait3A_212 : memref<512x8xf32, #tpu.memory_space<vmem>>)
    %scan3A_218 = arith.constant 0 : i32
    %scan3A_219 = arith.constant 0 : i32
    %scan3A_220 = arith.constant 32 : i32
    %scan3A_221 = arith.addi %scan3A_219, %scan3A_220 : i32
    %scan3A_222 = arith.constant 1 : i32
    %scan3A_223 = scf.for %scan3A_308 = %scan3A_219 to %scan3A_221 step %scan3A_222 iter_args(%scan3A_309 = %scan3A_218) -> (i32)  : i32 {
      %mul3A_310 = arith.constant 16 : i32
      %mul3A_311 = arith.muli %mul3A_310, %scan3A_308 : i32
      %add3A_312 = arith.constant 512 : i32
      %add3A_313 = arith.addi %add3A_312, %mul3A_311 : i32
      %get3A = arith.index_cast %add3A_313 : i32 to index
      %get3A_314 = tpu.vector_load %arg7[%get3A] {strides = array<i32>} : memref<1536xi32, #tpu.memory_space<vmem>>, vector<16xi32>,
      %add3A_315 = arith.constant 6656 : i32
      %add3A_316 = arith.addi %add3A_315, %mul3A_311 : i32
      %add3A_317 = vector.broadcast %add3A_316 : i32 to vector<16xi32>
      %add3A_318 = arith.addi %add3A_317, %iota3A : vector<16xi32>
      %and3A = arith.constant 7 : i32
      %and3A_319 = vector.broadcast %and3A : i32 to vector<16xi32>
      %and3A_320 = arith.andi %get3A_314, %and3A_319 : vector<16xi32>
      %gather3A = tpu.vector_load_idx %arg9[%add3A_318, %and3A_320] : memref<9216x8xf32, #tpu.memory_space<vmem>>[vector<16xi32>, vector<16xi32>], vector<16xf32>,
      %shift_right_arithmetic3A = arith.constant 3 : i32
      %shift_right_arithmetic3A_321 = arith.shrsi %scan3A_308, %shift_right_arithmetic3A : i32
      %and3A_322 = arith.constant 7 : i32
      %and3A_323 = arith.andi %scan3A_308, %and3A_322 : i32
      %mul3A_324 = arith.constant 16 : i32
      %mul3A_325 = arith.muli %mul3A_324, %and3A_323 : i32
      %add3A_326 = arith.constant 128 : i32
      %add3A_327 = arith.addi %add3A_326, %mul3A_325 : i32
      %swap3A = arith.constant 4 : i32
      %swap3A_328 = arith.index_cast %swap3A : i32 to index
      %swap3A_329 = arith.index_cast %shift_right_arithmetic3A_321 : i32 to index
      %swap3A_330 = arith.index_cast %add3A_327 : i32 to index
      %swap3A_331 = tpu.vector_load %arg10[%swap3A_328, %swap3A_329, %swap3A_330] {strides = array<i32>} : memref<6x4x512xf32, #tpu.memory_space<vmem>>, vector<16xf32>,
      tpu.vector_store %arg10[%swap3A_328, %swap3A_329, %swap3A_330], %gather3A {strides = array<i32>} : memref<6x4x512xf32, #tpu.memory_space<vmem>>, vector<16xf32>,
      %scan3A_332 = arith.constant 0 : i32
      scf.yield %scan3A_332 : i32
    }
    %scan3A_224 = arith.constant 32 : i32
    %dma_wait3A_225 = arith.constant 7168 : i32
    %dma_wait3A_226 = arith.constant 0 : i32
    %dma_wait3A_227 = tpu.memref_slice %arg9[%dma_wait3A_225, %dma_wait3A_226] : memref<9216x8xf32, #tpu.memory_space<vmem>> -> memref<512x8xf32, #tpu.memory_space<vmem>>
    %dma_wait3A_228 = arith.constant 7168 : i32
    %dma_wait3A_229 = tpu.memref_slice %arg8[%dma_wait3A_228] : memref<9216xi32, #tpu.memory_space<vmem>> -> memref<512xi32, #tpu.memory_space<vmem>>
    %dma_wait3A_230 = arith.constant 0 : i32
    %dma_wait3A_231 = arith.constant 0 : i32
    %dma_wait3A_232 = tpu.memref_slice %arg2[%dma_wait3A_230, %dma_wait3A_231] : memref<600576x8xf32, #tpu.memory_space<hbm>> -> memref<600576x8xf32, #tpu.memory_space<hbm>>
    tpu.wait_indirect_dma semaphore(%arg11 : memref<!tpu.dma_semaphore, #tpu.memory_space<semaphore_mem>>) src(%dma_wait3A_232 : memref<600576x8xf32, #tpu.memory_space<hbm>>) dst(%dma_wait3A_227 : memref<512x8xf32, #tpu.memory_space<vmem>>)
    %scan3A_233 = arith.constant 0 : i32
    %scan3A_234 = arith.constant 0 : i32
    %scan3A_235 = arith.constant 32 : i32
    %scan3A_236 = arith.addi %scan3A_234, %scan3A_235 : i32
    %scan3A_237 = arith.constant 1 : i32
    %scan3A_238 = scf.for %scan3A_308 = %scan3A_234 to %scan3A_236 step %scan3A_237 iter_args(%scan3A_309 = %scan3A_233) -> (i32)  : i32 {
      %mul3A_310 = arith.constant 16 : i32
      %mul3A_311 = arith.muli %mul3A_310, %scan3A_308 : i32
      %add3A_312 = arith.constant 512 : i32
      %add3A_313 = arith.addi %add3A_312, %mul3A_311 : i32
      %get3A = arith.index_cast %add3A_313 : i32 to index
      %get3A_314 = tpu.vector_load %arg7[%get3A] {strides = array<i32>} : memref<1536xi32, #tpu.memory_space<vmem>>, vector<16xi32>,
      %add3A_315 = arith.constant 7168 : i32
      %add3A_316 = arith.addi %add3A_315, %mul3A_311 : i32
      %add3A_317 = vector.broadcast %add3A_316 : i32 to vector<16xi32>
      %add3A_318 = arith.addi %add3A_317, %iota3A : vector<16xi32>
      %and3A = arith.constant 7 : i32
      %and3A_319 = vector.broadcast %and3A : i32 to vector<16xi32>
      %and3A_320 = arith.andi %get3A_314, %and3A_319 : vector<16xi32>
      %gather3A = tpu.vector_load_idx %arg9[%add3A_318, %and3A_320] : memref<9216x8xf32, #tpu.memory_space<vmem>>[vector<16xi32>, vector<16xi32>], vector<16xf32>,
      %shift_right_arithmetic3A = arith.constant 3 : i32
      %shift_right_arithmetic3A_321 = arith.shrsi %scan3A_308, %shift_right_arithmetic3A : i32
      %and3A_322 = arith.constant 7 : i32
      %and3A_323 = arith.andi %scan3A_308, %and3A_322 : i32
      %mul3A_324 = arith.constant 16 : i32
      %mul3A_325 = arith.muli %mul3A_324, %and3A_323 : i32
      %add3A_326 = arith.constant 256 : i32
      %add3A_327 = arith.addi %add3A_326, %mul3A_325 : i32
      %swap3A = arith.constant 4 : i32
      %swap3A_328 = arith.index_cast %swap3A : i32 to index
      %swap3A_329 = arith.index_cast %shift_right_arithmetic3A_321 : i32 to index
      %swap3A_330 = arith.index_cast %add3A_327 : i32 to index
      %swap3A_331 = tpu.vector_load %arg10[%swap3A_328, %swap3A_329, %swap3A_330] {strides = array<i32>} : memref<6x4x512xf32, #tpu.memory_space<vmem>>, vector<16xf32>,
      tpu.vector_store %arg10[%swap3A_328, %swap3A_329, %swap3A_330], %gather3A {strides = array<i32>} : memref<6x4x512xf32, #tpu.memory_space<vmem>>, vector<16xf32>,
      %scan3A_332 = arith.constant 0 : i32
      scf.yield %scan3A_332 : i32
    }
    %scan3A_239 = arith.constant 32 : i32
    %dma_wait3A_240 = arith.constant 7680 : i32
    %dma_wait3A_241 = arith.constant 0 : i32
    %dma_wait3A_242 = tpu.memref_slice %arg9[%dma_wait3A_240, %dma_wait3A_241] : memref<9216x8xf32, #tpu.memory_space<vmem>> -> memref<512x8xf32, #tpu.memory_space<vmem>>
    %dma_wait3A_243 = arith.constant 7680 : i32
    %dma_wait3A_244 = tpu.memref_slice %arg8[%dma_wait3A_243] : memref<9216xi32, #tpu.memory_space<vmem>> -> memref<512xi32, #tpu.memory_space<vmem>>
    %dma_wait3A_245 = arith.constant 0 : i32
    %dma_wait3A_246 = arith.constant 0 : i32
    %dma_wait3A_247 = tpu.memref_slice %arg2[%dma_wait3A_245, %dma_wait3A_246] : memref<600576x8xf32, #tpu.memory_space<hbm>> -> memref<600576x8xf32, #tpu.memory_space<hbm>>
    tpu.wait_indirect_dma semaphore(%arg11 : memref<!tpu.dma_semaphore, #tpu.memory_space<semaphore_mem>>) src(%dma_wait3A_247 : memref<600576x8xf32, #tpu.memory_space<hbm>>) dst(%dma_wait3A_242 : memref<512x8xf32, #tpu.memory_space<vmem>>)
    %scan3A_248 = arith.constant 0 : i32
    %scan3A_249 = arith.constant 0 : i32
    %scan3A_250 = arith.constant 32 : i32
    %scan3A_251 = arith.addi %scan3A_249, %scan3A_250 : i32
    %scan3A_252 = arith.constant 1 : i32
    %scan3A_253 = scf.for %scan3A_308 = %scan3A_249 to %scan3A_251 step %scan3A_252 iter_args(%scan3A_309 = %scan3A_248) -> (i32)  : i32 {
      %mul3A_310 = arith.constant 16 : i32
      %mul3A_311 = arith.muli %mul3A_310, %scan3A_308 : i32
      %add3A_312 = arith.constant 1024 : i32
      %add3A_313 = arith.addi %add3A_312, %mul3A_311 : i32
      %get3A = arith.index_cast %add3A_313 : i32 to index
      %get3A_314 = tpu.vector_load %arg7[%get3A] {strides = array<i32>} : memref<1536xi32, #tpu.memory_space<vmem>>, vector<16xi32>,
      %add3A_315 = arith.constant 7680 : i32
      %add3A_316 = arith.addi %add3A_315, %mul3A_311 : i32
      %add3A_317 = vector.broadcast %add3A_316 : i32 to vector<16xi32>
      %add3A_318 = arith.addi %add3A_317, %iota3A : vector<16xi32>
      %and3A = arith.constant 7 : i32
      %and3A_319 = vector.broadcast %and3A : i32 to vector<16xi32>
      %and3A_320 = arith.andi %get3A_314, %and3A_319 : vector<16xi32>
      %gather3A = tpu.vector_load_idx %arg9[%add3A_318, %and3A_320] : memref<9216x8xf32, #tpu.memory_space<vmem>>[vector<16xi32>, vector<16xi32>], vector<16xf32>,
      %shift_right_arithmetic3A = arith.constant 3 : i32
      %shift_right_arithmetic3A_321 = arith.shrsi %scan3A_308, %shift_right_arithmetic3A : i32
      %and3A_322 = arith.constant 7 : i32
      %and3A_323 = arith.andi %scan3A_308, %and3A_322 : i32
      %mul3A_324 = arith.constant 16 : i32
      %mul3A_325 = arith.muli %mul3A_324, %and3A_323 : i32
      %add3A_326 = arith.constant 0 : i32
      %add3A_327 = arith.addi %add3A_326, %mul3A_325 : i32
      %swap3A = arith.constant 5 : i32
      %swap3A_328 = arith.index_cast %swap3A : i32 to index
      %swap3A_329 = arith.index_cast %shift_right_arithmetic3A_321 : i32 to index
      %swap3A_330 = arith.index_cast %add3A_327 : i32 to index
      %swap3A_331 = tpu.vector_load %arg10[%swap3A_328, %swap3A_329, %swap3A_330] {strides = array<i32>} : memref<6x4x512xf32, #tpu.memory_space<vmem>>, vector<16xf32>,
      tpu.vector_store %arg10[%swap3A_328, %swap3A_329, %swap3A_330], %gather3A {strides = array<i32>} : memref<6x4x512xf32, #tpu.memory_space<vmem>>, vector<16xf32>,
      %scan3A_332 = arith.constant 0 : i32
      scf.yield %scan3A_332 : i32
    }
    %scan3A_254 = arith.constant 32 : i32
    %dma_wait3A_255 = arith.constant 8192 : i32
    %dma_wait3A_256 = arith.constant 0 : i32
    %dma_wait3A_257 = tpu.memref_slice %arg9[%dma_wait3A_255, %dma_wait3A_256] : memref<9216x8xf32, #tpu.memory_space<vmem>> -> memref<512x8xf32, #tpu.memory_space<vmem>>
    %dma_wait3A_258 = arith.constant 8192 : i32
    %dma_wait3A_259 = tpu.memref_slice %arg8[%dma_wait3A_258] : memref<9216xi32, #tpu.memory_space<vmem>> -> memref<512xi32, #tpu.memory_space<vmem>>
    %dma_wait3A_260 = arith.constant 0 : i32
    %dma_wait3A_261 = arith.constant 0 : i32
    %dma_wait3A_262 = tpu.memref_slice %arg2[%dma_wait3A_260, %dma_wait3A_261] : memref<600576x8xf32, #tpu.memory_space<hbm>> -> memref<600576x8xf32, #tpu.memory_space<hbm>>
    tpu.wait_indirect_dma semaphore(%arg11 : memref<!tpu.dma_semaphore, #tpu.memory_space<semaphore_mem>>) src(%dma_wait3A_262 : memref<600576x8xf32, #tpu.memory_space<hbm>>) dst(%dma_wait3A_257 : memref<512x8xf32, #tpu.memory_space<vmem>>)
    %scan3A_263 = arith.constant 0 : i32
    %scan3A_264 = arith.constant 0 : i32
    %scan3A_265 = arith.constant 32 : i32
    %scan3A_266 = arith.addi %scan3A_264, %scan3A_265 : i32
    %scan3A_267 = arith.constant 1 : i32
    %scan3A_268 = scf.for %scan3A_308 = %scan3A_264 to %scan3A_266 step %scan3A_267 iter_args(%scan3A_309 = %scan3A_263) -> (i32)  : i32 {
      %mul3A_310 = arith.constant 16 : i32
      %mul3A_311 = arith.muli %mul3A_310, %scan3A_308 : i32
      %add3A_312 = arith.constant 1024 : i32
      %add3A_313 = arith.addi %add3A_312, %mul3A_311 : i32
      %get3A = arith.index_cast %add3A_313 : i32 to index
      %get3A_314 = tpu.vector_load %arg7[%get3A] {strides = array<i32>} : memref<1536xi32, #tpu.memory_space<vmem>>, vector<16xi32>,
      %add3A_315 = arith.constant 8192 : i32
      %add3A_316 = arith.addi %add3A_315, %mul3A_311 : i32
      %add3A_317 = vector.broadcast %add3A_316 : i32 to vector<16xi32>
      %add3A_318 = arith.addi %add3A_317, %iota3A : vector<16xi32>
      %and3A = arith.constant 7 : i32
      %and3A_319 = vector.broadcast %and3A : i32 to vector<16xi32>
      %and3A_320 = arith.andi %get3A_314, %and3A_319 : vector<16xi32>
      %gather3A = tpu.vector_load_idx %arg9[%add3A_318, %and3A_320] : memref<9216x8xf32, #tpu.memory_space<vmem>>[vector<16xi32>, vector<16xi32>], vector<16xf32>,
      %shift_right_arithmetic3A = arith.constant 3 : i32
      %shift_right_arithmetic3A_321 = arith.shrsi %scan3A_308, %shift_right_arithmetic3A : i32
      %and3A_322 = arith.constant 7 : i32
      %and3A_323 = arith.andi %scan3A_308, %and3A_322 : i32
      %mul3A_324 = arith.constant 16 : i32
      %mul3A_325 = arith.muli %mul3A_324, %and3A_323 : i32
      %add3A_326 = arith.constant 128 : i32
      %add3A_327 = arith.addi %add3A_326, %mul3A_325 : i32
      %swap3A = arith.constant 5 : i32
      %swap3A_328 = arith.index_cast %swap3A : i32 to index
      %swap3A_329 = arith.index_cast %shift_right_arithmetic3A_321 : i32 to index
      %swap3A_330 = arith.index_cast %add3A_327 : i32 to index
      %swap3A_331 = tpu.vector_load %arg10[%swap3A_328, %swap3A_329, %swap3A_330] {strides = array<i32>} : memref<6x4x512xf32, #tpu.memory_space<vmem>>, vector<16xf32>,
      tpu.vector_store %arg10[%swap3A_328, %swap3A_329, %swap3A_330], %gather3A {strides = array<i32>} : memref<6x4x512xf32, #tpu.memory_space<vmem>>, vector<16xf32>,
      %scan3A_332 = arith.constant 0 : i32
      scf.yield %scan3A_332 : i32
    }
    %scan3A_269 = arith.constant 32 : i32
    %dma_wait3A_270 = arith.constant 8704 : i32
    %dma_wait3A_271 = arith.constant 0 : i32
    %dma_wait3A_272 = tpu.memref_slice %arg9[%dma_wait3A_270, %dma_wait3A_271] : memref<9216x8xf32, #tpu.memory_space<vmem>> -> memref<512x8xf32, #tpu.memory_space<vmem>>
    %dma_wait3A_273 = arith.constant 8704 : i32
    %dma_wait3A_274 = tpu.memref_slice %arg8[%dma_wait3A_273] : memref<9216xi32, #tpu.memory_space<vmem>> -> memref<512xi32, #tpu.memory_space<vmem>>
    %dma_wait3A_275 = arith.constant 0 : i32
    %dma_wait3A_276 = arith.constant 0 : i32
    %dma_wait3A_277 = tpu.memref_slice %arg2[%dma_wait3A_275, %dma_wait3A_276] : memref<600576x8xf32, #tpu.memory_space<hbm>> -> memref<600576x8xf32, #tpu.memory_space<hbm>>
    tpu.wait_indirect_dma semaphore(%arg11 : memref<!tpu.dma_semaphore, #tpu.memory_space<semaphore_mem>>) src(%dma_wait3A_277 : memref<600576x8xf32, #tpu.memory_space<hbm>>) dst(%dma_wait3A_272 : memref<512x8xf32, #tpu.memory_space<vmem>>)
    %scan3A_278 = arith.constant 0 : i32
    %scan3A_279 = arith.constant 0 : i32
    %scan3A_280 = arith.constant 32 : i32
    %scan3A_281 = arith.addi %scan3A_279, %scan3A_280 : i32
    %scan3A_282 = arith.constant 1 : i32
    %scan3A_283 = scf.for %scan3A_308 = %scan3A_279 to %scan3A_281 step %scan3A_282 iter_args(%scan3A_309 = %scan3A_278) -> (i32)  : i32 {
      %mul3A_310 = arith.constant 16 : i32
      %mul3A_311 = arith.muli %mul3A_310, %scan3A_308 : i32
      %add3A_312 = arith.constant 1024 : i32
      %add3A_313 = arith.addi %add3A_312, %mul3A_311 : i32
      %get3A = arith.index_cast %add3A_313 : i32 to index
      %get3A_314 = tpu.vector_load %arg7[%get3A] {strides = array<i32>} : memref<1536xi32, #tpu.memory_space<vmem>>, vector<16xi32>,
      %add3A_315 = arith.constant 8704 : i32
      %add3A_316 = arith.addi %add3A_315, %mul3A_311 : i32
      %add3A_317 = vector.broadcast %add3A_316 : i32 to vector<16xi32>
      %add3A_318 = arith.addi %add3A_317, %iota3A : vector<16xi32>
      %and3A = arith.constant 7 : i32
      %and3A_319 = vector.broadcast %and3A : i32 to vector<16xi32>
      %and3A_320 = arith.andi %get3A_314, %and3A_319 : vector<16xi32>
      %gather3A = tpu.vector_load_idx %arg9[%add3A_318, %and3A_320] : memref<9216x8xf32, #tpu.memory_space<vmem>>[vector<16xi32>, vector<16xi32>], vector<16xf32>,
      %shift_right_arithmetic3A = arith.constant 3 : i32
      %shift_right_arithmetic3A_321 = arith.shrsi %scan3A_308, %shift_right_arithmetic3A : i32
      %and3A_322 = arith.constant 7 : i32
      %and3A_323 = arith.andi %scan3A_308, %and3A_322 : i32
      %mul3A_324 = arith.constant 16 : i32
      %mul3A_325 = arith.muli %mul3A_324, %and3A_323 : i32
      %add3A_326 = arith.constant 256 : i32
      %add3A_327 = arith.addi %add3A_326, %mul3A_325 : i32
      %swap3A = arith.constant 5 : i32
      %swap3A_328 = arith.index_cast %swap3A : i32 to index
      %swap3A_329 = arith.index_cast %shift_right_arithmetic3A_321 : i32 to index
      %swap3A_330 = arith.index_cast %add3A_327 : i32 to index
      %swap3A_331 = tpu.vector_load %arg10[%swap3A_328, %swap3A_329, %swap3A_330] {strides = array<i32>} : memref<6x4x512xf32, #tpu.memory_space<vmem>>, vector<16xf32>,
      tpu.vector_store %arg10[%swap3A_328, %swap3A_329, %swap3A_330], %gather3A {strides = array<i32>} : memref<6x4x512xf32, #tpu.memory_space<vmem>>, vector<16xf32>,
      %scan3A_332 = arith.constant 0 : i32
      scf.yield %scan3A_332 : i32
    }
    %scan3A_284 = arith.constant 32 : i32
    %mul3A_285 = arith.constant 4 : i32
    %mul3A_286 = arith.muli %mul3A_285, %add3A : i32
    %run_scoped3A = arith.constant 0 : i32
    %run_scoped3A_287 = arith.constant 0 : i32
    "tpu.region"() ({
      %run_scoped3A_308 = tpu.sem_alloc : memref<!tpu.dma_semaphore, #tpu.memory_space<semaphore_mem>>
      %dma_start3A = arith.constant 0 : i32
      %dma_start3A_309 = arith.constant 0 : i32
      %dma_start3A_310 = tpu.memref_slice %arg10[%run_scoped3A, %dma_start3A, %dma_start3A_309] : memref<6x4x512xf32, #tpu.memory_space<vmem>> -> memref<1x4x512xf32, #tpu.memory_space<vmem>>
      %dma_start3A_311 = tpu.memref_squeeze %dma_start3A_310 : memref<1x4x512xf32, #tpu.memory_space<vmem>> -> memref<4x512xf32, #tpu.memory_space<vmem>>
      %dma_start3A_312 = arith.constant 0 : i32
      %dma_start3A_313 = tpu.memref_slice %arg6[%run_scoped3A_287, %mul3A_286, %dma_start3A_312] : memref<6x128x512xf32, #tpu.memory_space<hbm>> -> memref<1x4x512xf32, #tpu.memory_space<hbm>>
      %dma_start3A_314 = tpu.memref_squeeze %dma_start3A_313 : memref<1x4x512xf32, #tpu.memory_space<hbm>> -> memref<4x512xf32, #tpu.memory_space<hbm>>
      %dma_start3A_315 = arith.constant 0 : i32
      %dma_start3A_316 = tpu.memref_slice %arg6[%run_scoped3A_287, %mul3A_286, %dma_start3A_315] : memref<6x128x512xf32, #tpu.memory_space<hbm>> -> memref<1x4x512xf32, #tpu.memory_space<hbm>>
      %dma_start3A_317 = tpu.memref_squeeze %dma_start3A_316 : memref<1x4x512xf32, #tpu.memory_space<hbm>> -> memref<4x512xf32, #tpu.memory_space<hbm>>
      %dma_start3A_318 = arith.constant 0 : i32
      %dma_start3A_319 = arith.constant 0 : i32
      %dma_start3A_320 = tpu.memref_slice %arg10[%run_scoped3A, %dma_start3A_318, %dma_start3A_319] : memref<6x4x512xf32, #tpu.memory_space<vmem>> -> memref<1x4x512xf32, #tpu.memory_space<vmem>>
      %dma_start3A_321 = tpu.memref_squeeze %dma_start3A_320 : memref<1x4x512xf32, #tpu.memory_space<vmem>> -> memref<4x512xf32, #tpu.memory_space<vmem>>
      tpu.enqueue_dma source(%dma_start3A_321 : memref<4x512xf32, #tpu.memory_space<vmem>>) target(%dma_start3A_317 : memref<4x512xf32, #tpu.memory_space<hbm>>) target_semaphore(%run_scoped3A_308 : memref<!tpu.dma_semaphore, #tpu.memory_space<semaphore_mem>>)
      %dma_wait3A_322 = arith.constant 0 : i32
      %dma_wait3A_323 = arith.constant 0 : i32
      %dma_wait3A_324 = tpu.memref_slice %arg10[%run_scoped3A, %dma_wait3A_322, %dma_wait3A_323] : memref<6x4x512xf32, #tpu.memory_space<vmem>> -> memref<1x4x512xf32, #tpu.memory_space<vmem>>
      %dma_wait3A_325 = tpu.memref_squeeze %dma_wait3A_324 : memref<1x4x512xf32, #tpu.memory_space<vmem>> -> memref<4x512xf32, #tpu.memory_space<vmem>>
      %dma_wait3A_326 = arith.constant 0 : i32
      %dma_wait3A_327 = tpu.memref_slice %arg6[%run_scoped3A_287, %mul3A_286, %dma_wait3A_326] : memref<6x128x512xf32, #tpu.memory_space<hbm>> -> memref<1x4x512xf32, #tpu.memory_space<hbm>>
      %dma_wait3A_328 = tpu.memref_squeeze %dma_wait3A_327 : memref<1x4x512xf32, #tpu.memory_space<hbm>> -> memref<4x512xf32, #tpu.memory_space<hbm>>
      %dma_wait3A_329 = arith.constant 0 : i32
      %dma_wait3A_330 = tpu.memref_slice %arg6[%run_scoped3A_287, %mul3A_286, %dma_wait3A_329] : memref<6x128x512xf32, #tpu.memory_space<hbm>> -> memref<1x4x512xf32, #tpu.memory_space<hbm>>
      %dma_wait3A_331 = tpu.memref_squeeze %dma_wait3A_330 : memref<1x4x512xf32, #tpu.memory_space<hbm>> -> memref<4x512xf32, #tpu.memory_space<hbm>>
      %dma_wait3A_332 = arith.constant 0 : i32
      %dma_wait3A_333 = arith.constant 0 : i32
      %dma_wait3A_334 = tpu.memref_slice %arg10[%run_scoped3A, %dma_wait3A_332, %dma_wait3A_333] : memref<6x4x512xf32, #tpu.memory_space<vmem>> -> memref<1x4x512xf32, #tpu.memory_space<vmem>>
      %dma_wait3A_335 = tpu.memref_squeeze %dma_wait3A_334 : memref<1x4x512xf32, #tpu.memory_space<vmem>> -> memref<4x512xf32, #tpu.memory_space<vmem>>
      tpu.wait_dma2 semaphore(%run_scoped3A_308 : memref<!tpu.dma_semaphore, #tpu.memory_space<semaphore_mem>>) src(%dma_wait3A_335 : memref<4x512xf32, #tpu.memory_space<vmem>>) dst(%dma_wait3A_331 : memref<4x512xf32, #tpu.memory_space<hbm>>)
      tpu.yield
    }) : () -> ()
    %mul3A_288 = arith.constant 4 : i32
    %mul3A_289 = arith.muli %mul3A_288, %add3A : i32
    %run_scoped3A_290 = arith.constant 1 : i32
    %run_scoped3A_291 = arith.constant 1 : i32
    "tpu.region"() ({
      %run_scoped3A_308 = tpu.sem_alloc : memref<!tpu.dma_semaphore, #tpu.memory_space<semaphore_mem>>
      %dma_start3A = arith.constant 0 : i32
      %dma_start3A_309 = arith.constant 0 : i32
      %dma_start3A_310 = tpu.memref_slice %arg10[%run_scoped3A_290, %dma_start3A, %dma_start3A_309] : memref<6x4x512xf32, #tpu.memory_space<vmem>> -> memref<1x4x512xf32, #tpu.memory_space<vmem>>
      %dma_start3A_311 = tpu.memref_squeeze %dma_start3A_310 : memref<1x4x512xf32, #tpu.memory_space<vmem>> -> memref<4x512xf32, #tpu.memory_space<vmem>>
      %dma_start3A_312 = arith.constant 0 : i32
      %dma_start3A_313 = tpu.memref_slice %arg6[%run_scoped3A_291, %mul3A_289, %dma_start3A_312] : memref<6x128x512xf32, #tpu.memory_space<hbm>> -> memref<1x4x512xf32, #tpu.memory_space<hbm>>
      %dma_start3A_314 = tpu.memref_squeeze %dma_start3A_313 : memref<1x4x512xf32, #tpu.memory_space<hbm>> -> memref<4x512xf32, #tpu.memory_space<hbm>>
      %dma_start3A_315 = arith.constant 0 : i32
      %dma_start3A_316 = tpu.memref_slice %arg6[%run_scoped3A_291, %mul3A_289, %dma_start3A_315] : memref<6x128x512xf32, #tpu.memory_space<hbm>> -> memref<1x4x512xf32, #tpu.memory_space<hbm>>
      %dma_start3A_317 = tpu.memref_squeeze %dma_start3A_316 : memref<1x4x512xf32, #tpu.memory_space<hbm>> -> memref<4x512xf32, #tpu.memory_space<hbm>>
      %dma_start3A_318 = arith.constant 0 : i32
      %dma_start3A_319 = arith.constant 0 : i32
      %dma_start3A_320 = tpu.memref_slice %arg10[%run_scoped3A_290, %dma_start3A_318, %dma_start3A_319] : memref<6x4x512xf32, #tpu.memory_space<vmem>> -> memref<1x4x512xf32, #tpu.memory_space<vmem>>
      %dma_start3A_321 = tpu.memref_squeeze %dma_start3A_320 : memref<1x4x512xf32, #tpu.memory_space<vmem>> -> memref<4x512xf32, #tpu.memory_space<vmem>>
      tpu.enqueue_dma source(%dma_start3A_321 : memref<4x512xf32, #tpu.memory_space<vmem>>) target(%dma_start3A_317 : memref<4x512xf32, #tpu.memory_space<hbm>>) target_semaphore(%run_scoped3A_308 : memref<!tpu.dma_semaphore, #tpu.memory_space<semaphore_mem>>)
      %dma_wait3A_322 = arith.constant 0 : i32
      %dma_wait3A_323 = arith.constant 0 : i32
      %dma_wait3A_324 = tpu.memref_slice %arg10[%run_scoped3A_290, %dma_wait3A_322, %dma_wait3A_323] : memref<6x4x512xf32, #tpu.memory_space<vmem>> -> memref<1x4x512xf32, #tpu.memory_space<vmem>>
      %dma_wait3A_325 = tpu.memref_squeeze %dma_wait3A_324 : memref<1x4x512xf32, #tpu.memory_space<vmem>> -> memref<4x512xf32, #tpu.memory_space<vmem>>
      %dma_wait3A_326 = arith.constant 0 : i32
      %dma_wait3A_327 = tpu.memref_slice %arg6[%run_scoped3A_291, %mul3A_289, %dma_wait3A_326] : memref<6x128x512xf32, #tpu.memory_space<hbm>> -> memref<1x4x512xf32, #tpu.memory_space<hbm>>
      %dma_wait3A_328 = tpu.memref_squeeze %dma_wait3A_327 : memref<1x4x512xf32, #tpu.memory_space<hbm>> -> memref<4x512xf32, #tpu.memory_space<hbm>>
      %dma_wait3A_329 = arith.constant 0 : i32
      %dma_wait3A_330 = tpu.memref_slice %arg6[%run_scoped3A_291, %mul3A_289, %dma_wait3A_329] : memref<6x128x512xf32, #tpu.memory_space<hbm>> -> memref<1x4x512xf32, #tpu.memory_space<hbm>>
      %dma_wait3A_331 = tpu.memref_squeeze %dma_wait3A_330 : memref<1x4x512xf32, #tpu.memory_space<hbm>> -> memref<4x512xf32, #tpu.memory_space<hbm>>
      %dma_wait3A_332 = arith.constant 0 : i32
      %dma_wait3A_333 = arith.constant 0 : i32
      %dma_wait3A_334 = tpu.memref_slice %arg10[%run_scoped3A_290, %dma_wait3A_332, %dma_wait3A_333] : memref<6x4x512xf32, #tpu.memory_space<vmem>> -> memref<1x4x512xf32, #tpu.memory_space<vmem>>
      %dma_wait3A_335 = tpu.memref_squeeze %dma_wait3A_334 : memref<1x4x512xf32, #tpu.memory_space<vmem>> -> memref<4x512xf32, #tpu.memory_space<vmem>>
      tpu.wait_dma2 semaphore(%run_scoped3A_308 : memref<!tpu.dma_semaphore, #tpu.memory_space<semaphore_mem>>) src(%dma_wait3A_335 : memref<4x512xf32, #tpu.memory_space<vmem>>) dst(%dma_wait3A_331 : memref<4x512xf32, #tpu.memory_space<hbm>>)
      tpu.yield
    }) : () -> ()
    %mul3A_292 = arith.constant 4 : i32
    %mul3A_293 = arith.muli %mul3A_292, %add3A : i32
    %run_scoped3A_294 = arith.constant 2 : i32
    %run_scoped3A_295 = arith.constant 2 : i32
    "tpu.region"() ({
      %run_scoped3A_308 = tpu.sem_alloc : memref<!tpu.dma_semaphore, #tpu.memory_space<semaphore_mem>>
      %dma_start3A = arith.constant 0 : i32
      %dma_start3A_309 = arith.constant 0 : i32
      %dma_start3A_310 = tpu.memref_slice %arg10[%run_scoped3A_294, %dma_start3A, %dma_start3A_309] : memref<6x4x512xf32, #tpu.memory_space<vmem>> -> memref<1x4x512xf32, #tpu.memory_space<vmem>>
      %dma_start3A_311 = tpu.memref_squeeze %dma_start3A_310 : memref<1x4x512xf32, #tpu.memory_space<vmem>> -> memref<4x512xf32, #tpu.memory_space<vmem>>
      %dma_start3A_312 = arith.constant 0 : i32
      %dma_start3A_313 = tpu.memref_slice %arg6[%run_scoped3A_295, %mul3A_293, %dma_start3A_312] : memref<6x128x512xf32, #tpu.memory_space<hbm>> -> memref<1x4x512xf32, #tpu.memory_space<hbm>>
      %dma_start3A_314 = tpu.memref_squeeze %dma_start3A_313 : memref<1x4x512xf32, #tpu.memory_space<hbm>> -> memref<4x512xf32, #tpu.memory_space<hbm>>
      %dma_start3A_315 = arith.constant 0 : i32
      %dma_start3A_316 = tpu.memref_slice %arg6[%run_scoped3A_295, %mul3A_293, %dma_start3A_315] : memref<6x128x512xf32, #tpu.memory_space<hbm>> -> memref<1x4x512xf32, #tpu.memory_space<hbm>>
      %dma_start3A_317 = tpu.memref_squeeze %dma_start3A_316 : memref<1x4x512xf32, #tpu.memory_space<hbm>> -> memref<4x512xf32, #tpu.memory_space<hbm>>
      %dma_start3A_318 = arith.constant 0 : i32
      %dma_start3A_319 = arith.constant 0 : i32
      %dma_start3A_320 = tpu.memref_slice %arg10[%run_scoped3A_294, %dma_start3A_318, %dma_start3A_319] : memref<6x4x512xf32, #tpu.memory_space<vmem>> -> memref<1x4x512xf32, #tpu.memory_space<vmem>>
      %dma_start3A_321 = tpu.memref_squeeze %dma_start3A_320 : memref<1x4x512xf32, #tpu.memory_space<vmem>> -> memref<4x512xf32, #tpu.memory_space<vmem>>
      tpu.enqueue_dma source(%dma_start3A_321 : memref<4x512xf32, #tpu.memory_space<vmem>>) target(%dma_start3A_317 : memref<4x512xf32, #tpu.memory_space<hbm>>) target_semaphore(%run_scoped3A_308 : memref<!tpu.dma_semaphore, #tpu.memory_space<semaphore_mem>>)
      %dma_wait3A_322 = arith.constant 0 : i32
      %dma_wait3A_323 = arith.constant 0 : i32
      %dma_wait3A_324 = tpu.memref_slice %arg10[%run_scoped3A_294, %dma_wait3A_322, %dma_wait3A_323] : memref<6x4x512xf32, #tpu.memory_space<vmem>> -> memref<1x4x512xf32, #tpu.memory_space<vmem>>
      %dma_wait3A_325 = tpu.memref_squeeze %dma_wait3A_324 : memref<1x4x512xf32, #tpu.memory_space<vmem>> -> memref<4x512xf32, #tpu.memory_space<vmem>>
      %dma_wait3A_326 = arith.constant 0 : i32
      %dma_wait3A_327 = tpu.memref_slice %arg6[%run_scoped3A_295, %mul3A_293, %dma_wait3A_326] : memref<6x128x512xf32, #tpu.memory_space<hbm>> -> memref<1x4x512xf32, #tpu.memory_space<hbm>>
      %dma_wait3A_328 = tpu.memref_squeeze %dma_wait3A_327 : memref<1x4x512xf32, #tpu.memory_space<hbm>> -> memref<4x512xf32, #tpu.memory_space<hbm>>
      %dma_wait3A_329 = arith.constant 0 : i32
      %dma_wait3A_330 = tpu.memref_slice %arg6[%run_scoped3A_295, %mul3A_293, %dma_wait3A_329] : memref<6x128x512xf32, #tpu.memory_space<hbm>> -> memref<1x4x512xf32, #tpu.memory_space<hbm>>
      %dma_wait3A_331 = tpu.memref_squeeze %dma_wait3A_330 : memref<1x4x512xf32, #tpu.memory_space<hbm>> -> memref<4x512xf32, #tpu.memory_space<hbm>>
      %dma_wait3A_332 = arith.constant 0 : i32
      %dma_wait3A_333 = arith.constant 0 : i32
      %dma_wait3A_334 = tpu.memref_slice %arg10[%run_scoped3A_294, %dma_wait3A_332, %dma_wait3A_333] : memref<6x4x512xf32, #tpu.memory_space<vmem>> -> memref<1x4x512xf32, #tpu.memory_space<vmem>>
      %dma_wait3A_335 = tpu.memref_squeeze %dma_wait3A_334 : memref<1x4x512xf32, #tpu.memory_space<vmem>> -> memref<4x512xf32, #tpu.memory_space<vmem>>
      tpu.wait_dma2 semaphore(%run_scoped3A_308 : memref<!tpu.dma_semaphore, #tpu.memory_space<semaphore_mem>>) src(%dma_wait3A_335 : memref<4x512xf32, #tpu.memory_space<vmem>>) dst(%dma_wait3A_331 : memref<4x512xf32, #tpu.memory_space<hbm>>)
      tpu.yield
    }) : () -> ()
    %mul3A_296 = arith.constant 4 : i32
    %mul3A_297 = arith.muli %mul3A_296, %add3A : i32
    %run_scoped3A_298 = arith.constant 3 : i32
    %run_scoped3A_299 = arith.constant 3 : i32
    "tpu.region"() ({
      %run_scoped3A_308 = tpu.sem_alloc : memref<!tpu.dma_semaphore, #tpu.memory_space<semaphore_mem>>
      %dma_start3A = arith.constant 0 : i32
      %dma_start3A_309 = arith.constant 0 : i32
      %dma_start3A_310 = tpu.memref_slice %arg10[%run_scoped3A_298, %dma_start3A, %dma_start3A_309] : memref<6x4x512xf32, #tpu.memory_space<vmem>> -> memref<1x4x512xf32, #tpu.memory_space<vmem>>
      %dma_start3A_311 = tpu.memref_squeeze %dma_start3A_310 : memref<1x4x512xf32, #tpu.memory_space<vmem>> -> memref<4x512xf32, #tpu.memory_space<vmem>>
      %dma_start3A_312 = arith.constant 0 : i32
      %dma_start3A_313 = tpu.memref_slice %arg6[%run_scoped3A_299, %mul3A_297, %dma_start3A_312] : memref<6x128x512xf32, #tpu.memory_space<hbm>> -> memref<1x4x512xf32, #tpu.memory_space<hbm>>
      %dma_start3A_314 = tpu.memref_squeeze %dma_start3A_313 : memref<1x4x512xf32, #tpu.memory_space<hbm>> -> memref<4x512xf32, #tpu.memory_space<hbm>>
      %dma_start3A_315 = arith.constant 0 : i32
      %dma_start3A_316 = tpu.memref_slice %arg6[%run_scoped3A_299, %mul3A_297, %dma_start3A_315] : memref<6x128x512xf32, #tpu.memory_space<hbm>> -> memref<1x4x512xf32, #tpu.memory_space<hbm>>
      %dma_start3A_317 = tpu.memref_squeeze %dma_start3A_316 : memref<1x4x512xf32, #tpu.memory_space<hbm>> -> memref<4x512xf32, #tpu.memory_space<hbm>>
      %dma_start3A_318 = arith.constant 0 : i32
      %dma_start3A_319 = arith.constant 0 : i32
      %dma_start3A_320 = tpu.memref_slice %arg10[%run_scoped3A_298, %dma_start3A_318, %dma_start3A_319] : memref<6x4x512xf32, #tpu.memory_space<vmem>> -> memref<1x4x512xf32, #tpu.memory_space<vmem>>
      %dma_start3A_321 = tpu.memref_squeeze %dma_start3A_320 : memref<1x4x512xf32, #tpu.memory_space<vmem>> -> memref<4x512xf32, #tpu.memory_space<vmem>>
      tpu.enqueue_dma source(%dma_start3A_321 : memref<4x512xf32, #tpu.memory_space<vmem>>) target(%dma_start3A_317 : memref<4x512xf32, #tpu.memory_space<hbm>>) target_semaphore(%run_scoped3A_308 : memref<!tpu.dma_semaphore, #tpu.memory_space<semaphore_mem>>)
      %dma_wait3A_322 = arith.constant 0 : i32
      %dma_wait3A_323 = arith.constant 0 : i32
      %dma_wait3A_324 = tpu.memref_slice %arg10[%run_scoped3A_298, %dma_wait3A_322, %dma_wait3A_323] : memref<6x4x512xf32, #tpu.memory_space<vmem>> -> memref<1x4x512xf32, #tpu.memory_space<vmem>>
      %dma_wait3A_325 = tpu.memref_squeeze %dma_wait3A_324 : memref<1x4x512xf32, #tpu.memory_space<vmem>> -> memref<4x512xf32, #tpu.memory_space<vmem>>
      %dma_wait3A_326 = arith.constant 0 : i32
      %dma_wait3A_327 = tpu.memref_slice %arg6[%run_scoped3A_299, %mul3A_297, %dma_wait3A_326] : memref<6x128x512xf32, #tpu.memory_space<hbm>> -> memref<1x4x512xf32, #tpu.memory_space<hbm>>
      %dma_wait3A_328 = tpu.memref_squeeze %dma_wait3A_327 : memref<1x4x512xf32, #tpu.memory_space<hbm>> -> memref<4x512xf32, #tpu.memory_space<hbm>>
      %dma_wait3A_329 = arith.constant 0 : i32
      %dma_wait3A_330 = tpu.memref_slice %arg6[%run_scoped3A_299, %mul3A_297, %dma_wait3A_329] : memref<6x128x512xf32, #tpu.memory_space<hbm>> -> memref<1x4x512xf32, #tpu.memory_space<hbm>>
      %dma_wait3A_331 = tpu.memref_squeeze %dma_wait3A_330 : memref<1x4x512xf32, #tpu.memory_space<hbm>> -> memref<4x512xf32, #tpu.memory_space<hbm>>
      %dma_wait3A_332 = arith.constant 0 : i32
      %dma_wait3A_333 = arith.constant 0 : i32
      %dma_wait3A_334 = tpu.memref_slice %arg10[%run_scoped3A_298, %dma_wait3A_332, %dma_wait3A_333] : memref<6x4x512xf32, #tpu.memory_space<vmem>> -> memref<1x4x512xf32, #tpu.memory_space<vmem>>
      %dma_wait3A_335 = tpu.memref_squeeze %dma_wait3A_334 : memref<1x4x512xf32, #tpu.memory_space<vmem>> -> memref<4x512xf32, #tpu.memory_space<vmem>>
      tpu.wait_dma2 semaphore(%run_scoped3A_308 : memref<!tpu.dma_semaphore, #tpu.memory_space<semaphore_mem>>) src(%dma_wait3A_335 : memref<4x512xf32, #tpu.memory_space<vmem>>) dst(%dma_wait3A_331 : memref<4x512xf32, #tpu.memory_space<hbm>>)
      tpu.yield
    }) : () -> ()
    %mul3A_300 = arith.constant 4 : i32
    %mul3A_301 = arith.muli %mul3A_300, %add3A : i32
    %run_scoped3A_302 = arith.constant 4 : i32
    %run_scoped3A_303 = arith.constant 4 : i32
    "tpu.region"() ({
      %run_scoped3A_308 = tpu.sem_alloc : memref<!tpu.dma_semaphore, #tpu.memory_space<semaphore_mem>>
      %dma_start3A = arith.constant 0 : i32
      %dma_start3A_309 = arith.constant 0 : i32
      %dma_start3A_310 = tpu.memref_slice %arg10[%run_scoped3A_302, %dma_start3A, %dma_start3A_309] : memref<6x4x512xf32, #tpu.memory_space<vmem>> -> memref<1x4x512xf32, #tpu.memory_space<vmem>>
      %dma_start3A_311 = tpu.memref_squeeze %dma_start3A_310 : memref<1x4x512xf32, #tpu.memory_space<vmem>> -> memref<4x512xf32, #tpu.memory_space<vmem>>
      %dma_start3A_312 = arith.constant 0 : i32
      %dma_start3A_313 = tpu.memref_slice %arg6[%run_scoped3A_303, %mul3A_301, %dma_start3A_312] : memref<6x128x512xf32, #tpu.memory_space<hbm>> -> memref<1x4x512xf32, #tpu.memory_space<hbm>>
      %dma_start3A_314 = tpu.memref_squeeze %dma_start3A_313 : memref<1x4x512xf32, #tpu.memory_space<hbm>> -> memref<4x512xf32, #tpu.memory_space<hbm>>
      %dma_start3A_315 = arith.constant 0 : i32
      %dma_start3A_316 = tpu.memref_slice %arg6[%run_scoped3A_303, %mul3A_301, %dma_start3A_315] : memref<6x128x512xf32, #tpu.memory_space<hbm>> -> memref<1x4x512xf32, #tpu.memory_space<hbm>>
      %dma_start3A_317 = tpu.memref_squeeze %dma_start3A_316 : memref<1x4x512xf32, #tpu.memory_space<hbm>> -> memref<4x512xf32, #tpu.memory_space<hbm>>
      %dma_start3A_318 = arith.constant 0 : i32
      %dma_start3A_319 = arith.constant 0 : i32
      %dma_start3A_320 = tpu.memref_slice %arg10[%run_scoped3A_302, %dma_start3A_318, %dma_start3A_319] : memref<6x4x512xf32, #tpu.memory_space<vmem>> -> memref<1x4x512xf32, #tpu.memory_space<vmem>>
      %dma_start3A_321 = tpu.memref_squeeze %dma_start3A_320 : memref<1x4x512xf32, #tpu.memory_space<vmem>> -> memref<4x512xf32, #tpu.memory_space<vmem>>
      tpu.enqueue_dma source(%dma_start3A_321 : memref<4x512xf32, #tpu.memory_space<vmem>>) target(%dma_start3A_317 : memref<4x512xf32, #tpu.memory_space<hbm>>) target_semaphore(%run_scoped3A_308 : memref<!tpu.dma_semaphore, #tpu.memory_space<semaphore_mem>>)
      %dma_wait3A_322 = arith.constant 0 : i32
      %dma_wait3A_323 = arith.constant 0 : i32
      %dma_wait3A_324 = tpu.memref_slice %arg10[%run_scoped3A_302, %dma_wait3A_322, %dma_wait3A_323] : memref<6x4x512xf32, #tpu.memory_space<vmem>> -> memref<1x4x512xf32, #tpu.memory_space<vmem>>
      %dma_wait3A_325 = tpu.memref_squeeze %dma_wait3A_324 : memref<1x4x512xf32, #tpu.memory_space<vmem>> -> memref<4x512xf32, #tpu.memory_space<vmem>>
      %dma_wait3A_326 = arith.constant 0 : i32
      %dma_wait3A_327 = tpu.memref_slice %arg6[%run_scoped3A_303, %mul3A_301, %dma_wait3A_326] : memref<6x128x512xf32, #tpu.memory_space<hbm>> -> memref<1x4x512xf32, #tpu.memory_space<hbm>>
      %dma_wait3A_328 = tpu.memref_squeeze %dma_wait3A_327 : memref<1x4x512xf32, #tpu.memory_space<hbm>> -> memref<4x512xf32, #tpu.memory_space<hbm>>
      %dma_wait3A_329 = arith.constant 0 : i32
      %dma_wait3A_330 = tpu.memref_slice %arg6[%run_scoped3A_303, %mul3A_301, %dma_wait3A_329] : memref<6x128x512xf32, #tpu.memory_space<hbm>> -> memref<1x4x512xf32, #tpu.memory_space<hbm>>
      %dma_wait3A_331 = tpu.memref_squeeze %dma_wait3A_330 : memref<1x4x512xf32, #tpu.memory_space<hbm>> -> memref<4x512xf32, #tpu.memory_space<hbm>>
      %dma_wait3A_332 = arith.constant 0 : i32
      %dma_wait3A_333 = arith.constant 0 : i32
      %dma_wait3A_334 = tpu.memref_slice %arg10[%run_scoped3A_302, %dma_wait3A_332, %dma_wait3A_333] : memref<6x4x512xf32, #tpu.memory_space<vmem>> -> memref<1x4x512xf32, #tpu.memory_space<vmem>>
      %dma_wait3A_335 = tpu.memref_squeeze %dma_wait3A_334 : memref<1x4x512xf32, #tpu.memory_space<vmem>> -> memref<4x512xf32, #tpu.memory_space<vmem>>
      tpu.wait_dma2 semaphore(%run_scoped3A_308 : memref<!tpu.dma_semaphore, #tpu.memory_space<semaphore_mem>>) src(%dma_wait3A_335 : memref<4x512xf32, #tpu.memory_space<vmem>>) dst(%dma_wait3A_331 : memref<4x512xf32, #tpu.memory_space<hbm>>)
      tpu.yield
    }) : () -> ()
    %mul3A_304 = arith.constant 4 : i32
    %mul3A_305 = arith.muli %mul3A_304, %add3A : i32
    %run_scoped3A_306 = arith.constant 5 : i32
    %run_scoped3A_307 = arith.constant 5 : i32
    "tpu.region"() ({
      %run_scoped3A_308 = tpu.sem_alloc : memref<!tpu.dma_semaphore, #tpu.memory_space<semaphore_mem>>
      %dma_start3A = arith.constant 0 : i32
      %dma_start3A_309 = arith.constant 0 : i32
      %dma_start3A_310 = tpu.memref_slice %arg10[%run_scoped3A_306, %dma_start3A, %dma_start3A_309] : memref<6x4x512xf32, #tpu.memory_space<vmem>> -> memref<1x4x512xf32, #tpu.memory_space<vmem>>
      %dma_start3A_311 = tpu.memref_squeeze %dma_start3A_310 : memref<1x4x512xf32, #tpu.memory_space<vmem>> -> memref<4x512xf32, #tpu.memory_space<vmem>>
      %dma_start3A_312 = arith.constant 0 : i32
      %dma_start3A_313 = tpu.memref_slice %arg6[%run_scoped3A_307, %mul3A_305, %dma_start3A_312] : memref<6x128x512xf32, #tpu.memory_space<hbm>> -> memref<1x4x512xf32, #tpu.memory_space<hbm>>
      %dma_start3A_314 = tpu.memref_squeeze %dma_start3A_313 : memref<1x4x512xf32, #tpu.memory_space<hbm>> -> memref<4x512xf32, #tpu.memory_space<hbm>>
      %dma_start3A_315 = arith.constant 0 : i32
      %dma_start3A_316 = tpu.memref_slice %arg6[%run_scoped3A_307, %mul3A_305, %dma_start3A_315] : memref<6x128x512xf32, #tpu.memory_space<hbm>> -> memref<1x4x512xf32, #tpu.memory_space<hbm>>
      %dma_start3A_317 = tpu.memref_squeeze %dma_start3A_316 : memref<1x4x512xf32, #tpu.memory_space<hbm>> -> memref<4x512xf32, #tpu.memory_space<hbm>>
      %dma_start3A_318 = arith.constant 0 : i32
      %dma_start3A_319 = arith.constant 0 : i32
      %dma_start3A_320 = tpu.memref_slice %arg10[%run_scoped3A_306, %dma_start3A_318, %dma_start3A_319] : memref<6x4x512xf32, #tpu.memory_space<vmem>> -> memref<1x4x512xf32, #tpu.memory_space<vmem>>
      %dma_start3A_321 = tpu.memref_squeeze %dma_start3A_320 : memref<1x4x512xf32, #tpu.memory_space<vmem>> -> memref<4x512xf32, #tpu.memory_space<vmem>>
      tpu.enqueue_dma source(%dma_start3A_321 : memref<4x512xf32, #tpu.memory_space<vmem>>) target(%dma_start3A_317 : memref<4x512xf32, #tpu.memory_space<hbm>>) target_semaphore(%run_scoped3A_308 : memref<!tpu.dma_semaphore, #tpu.memory_space<semaphore_mem>>)
      %dma_wait3A_322 = arith.constant 0 : i32
      %dma_wait3A_323 = arith.constant 0 : i32
      %dma_wait3A_324 = tpu.memref_slice %arg10[%run_scoped3A_306, %dma_wait3A_322, %dma_wait3A_323] : memref<6x4x512xf32, #tpu.memory_space<vmem>> -> memref<1x4x512xf32, #tpu.memory_space<vmem>>
      %dma_wait3A_325 = tpu.memref_squeeze %dma_wait3A_324 : memref<1x4x512xf32, #tpu.memory_space<vmem>> -> memref<4x512xf32, #tpu.memory_space<vmem>>
      %dma_wait3A_326 = arith.constant 0 : i32
      %dma_wait3A_327 = tpu.memref_slice %arg6[%run_scoped3A_307, %mul3A_305, %dma_wait3A_326] : memref<6x128x512xf32, #tpu.memory_space<hbm>> -> memref<1x4x512xf32, #tpu.memory_space<hbm>>
      %dma_wait3A_328 = tpu.memref_squeeze %dma_wait3A_327 : memref<1x4x512xf32, #tpu.memory_space<hbm>> -> memref<4x512xf32, #tpu.memory_space<hbm>>
      %dma_wait3A_329 = arith.constant 0 : i32
      %dma_wait3A_330 = tpu.memref_slice %arg6[%run_scoped3A_307, %mul3A_305, %dma_wait3A_329] : memref<6x128x512xf32, #tpu.memory_space<hbm>> -> memref<1x4x512xf32, #tpu.memory_space<hbm>>
      %dma_wait3A_331 = tpu.memref_squeeze %dma_wait3A_330 : memref<1x4x512xf32, #tpu.memory_space<hbm>> -> memref<4x512xf32, #tpu.memory_space<hbm>>
      %dma_wait3A_332 = arith.constant 0 : i32
      %dma_wait3A_333 = arith.constant 0 : i32
      %dma_wait3A_334 = tpu.memref_slice %arg10[%run_scoped3A_306, %dma_wait3A_332, %dma_wait3A_333] : memref<6x4x512xf32, #tpu.memory_space<vmem>> -> memref<1x4x512xf32, #tpu.memory_space<vmem>>
      %dma_wait3A_335 = tpu.memref_squeeze %dma_wait3A_334 : memref<1x4x512xf32, #tpu.memory_space<vmem>> -> memref<4x512xf32, #tpu.memory_space<vmem>>
      tpu.wait_dma2 semaphore(%run_scoped3A_308 : memref<!tpu.dma_semaphore, #tpu.memory_space<semaphore_mem>>) src(%dma_wait3A_335 : memref<4x512xf32, #tpu.memory_space<vmem>>) dst(%dma_wait3A_331 : memref<4x512xf32, #tpu.memory_space<hbm>>)
      tpu.yield
    }) : () -> ()
    return
  }
}

</mosaic_0001>

<sc_bundles>
// kernel: kernel.3.cloned.1.call-start
scs
__scs_entry_jumppad:
0x0: {  	(pc) =	sbr.rel $0x88, $3  }
0x1: {  	(tag) =	ssettag $0x0;
	lr =	simm.s32 $0x1  }
0x2: {  	[smem:$0x3F9D] =	sst lr;
	_ =	strace $0xD0000000  }
0x3: {  	_ = 	snop  }
0x4: {  	_ = 	snop  }
0x5: {  	_ = 	snop  }
0x6: {  	_ = 	snop  }
0x7: {  	_ = 	snop  }
__scs_overlays_trampoline_lowered:
0x8: {  	[smem:$0x3FAC] =	sst s0  }
0x9: {  	[smem:$0x3FAD] =	sst s1  }
0xa: {  	[smem:$0x3FAE] =	sst s2  }
0xb: {  	[smem:$0x3FAF] =	sst s3  }
0xc: {  	[smem:$0x3FB0] =	sst s4  }
0xd: {  	[smem:$0x3FB1] =	sst s5  }
0xe: {  	[smem:$0x3FB2] =	sst s6  }
0xf: {  	[smem:$0x3FB3] =	sst s7  }
0x10: {  	[smem:$0x3FB4] =	sst s8  }
0x11: {  	[smem:$0x3FB5] =	sst s9;
	s0 =	simm.s32 @!p0 $0x0  }
0x12: {  	s1 =	sld [smem:$0x3F9B];
	s0 =	simm.s32 @p0 $0x1  }
0x13: {  	[smem:$0x3FB6] =	sst s0;
	s0 =	simm.s32 @!p1 $0x0  }
0x14: {  	s2 =	sld [smem:$0x3F9A];
	s0 =	simm.s32 @p1 $0x1  }
0x15: {  	[smem:$0x3FB7] =	sst s0;
	s0 =	simm.s32 @!p2 $0x0  }
0x16: {  	s3 =	sld [smem:$0x3FDB];
	s0 =	simm.s32 @p2 $0x1  }
0x17: {  	s4 =	simm.s32 $0x1BF5;
	[smem:$0x3FB9] =	sst s0  }
0x18: {  	s0 =	sld [smem:$0x3F9C];
	_ =	swait.ge [sflag:s4], $0x0  }
0x19: {  	s7 =	sld [smem:$0x3F9D]  }
0x1a: {  	s8 =	sadd.s32 $0xFFFFE003, lr  }
0x1b: {  	s9 =	sadd.s32 $0xFFFFFEF7, lr;
	s5 =	simm.s32 $0xFFFFFFFF;
	p2 =	slt.u32 s8, $0xFFFFF086  }
0x1c: {  	p1 =	slt.u32 s9, $0xF7A;
	s5 =	simm.s32 @!p2 $0x0  }
0x1d: {  	s5 =	simm.s32 @p1 $0x1;
	p0 =	seq.s32 s7, s2  }
0x1e: {  	s7 =	smul.u32 @!p0 $0xF7A, s2;
	p2 =	seq.s32 @!p0 s5, $0x0  }
0x1f: {  	s9 =	smul.u32 $0xF7A, s1;
	s8 =	simm.s32 @!p0 $0x1BF5;
	p2 =	por !p2, p0  }
0x20: {  	[sflag:s8] =	ssyncset.s32 @!p0 $0xFFFFF086;
	s6 =	sadd.s32 @!p0 s3, s7;
	s7 =	simm.s32 @!p0 $0x108  }
0x21: {  	s3 =	sadd.s32 s3, s9;
	s6 =	sadd.s32 @!p0 $0x88, s6;
	s7 =	simm.s32 @p2 $0x1082  }
0x22: {  	[simem:s7], [sflag:s8] =	dma.local @!p0 [hbm:s6], $0xF7A  }
0x23: {  	s9 =	sor.u32 $0xD0000000, s2;
	s6 =	simm.s32 $0x108;
	_ =	swait.ge @!p0 [sflag:s8], $0x0  }
0x24: {  	s3 =	sadd.s32 $0x88, s3;
	s6 =	simm.s32 @!p1 $0x1082;
	[sflag:s4] =	ssyncset.s32 $0xFFFFF086  }
0x25: {  	[simem:s6], [sflag:s4] =	dma.local [hbm:s3], $0xF7A  }
0x26: {  	[smem:$0x3F9D] =	sst s1;
	(tag) =	ssettag s2;
	_ =	strace s9  }
0x27: {  	s1 =	sld [smem:$0x3FAD]  }
0x28: {  	s2 =	sld [smem:$0x3FAE]  }
0x29: {  	s4 =	sld [smem:$0x3FB0]  }
0x2a: {  	p0 =	seq.s32 s5, $0x0;
	s5 =	sld [smem:$0x3FB1]  }
0x2b: {  	s6 =	sld [smem:$0x3FB2]  }
0x2c: {  	s7 =	sld [smem:$0x3FB3]  }
0x2d: {  	s3 =	simm.s32 $0x108;
	s8 =	sld [smem:$0x3FB4]  }
0x2e: {  	s3 =	simm.s32 @!p0 $0x1082;
	s9 =	sld [smem:$0x3FB5]  }
0x2f: {  	lr =	sadd.s32 s0, s3;
	s0 =	sld [smem:$0x3FAC]  }
0x30: {  	s3 =	sld [smem:$0x3FAF]  }
0x31: {  	[smem:$0x3FB8] =	sst s10  }
0x32: {  	s10 =	sld [smem:$0x3FB6];
	_ =	sdelay $0x3  }
0x33: {  	p0 =	seq.s32 s10, $0x1;
	s10 =	sld [smem:$0x3FB8];
	_ =	sdelay $0x3  }
0x34: {  	[smem:$0x3FB8] =	sst s10  }
0x35: {  	s10 =	sld [smem:$0x3FB7];
	_ =	sdelay $0x3  }
0x36: {  	p1 =	seq.s32 s10, $0x1;
	s10 =	sld [smem:$0x3FB8];
	_ =	sdelay $0x3  }
0x37: {  	[smem:$0x3FB8] =	sst s10  }
0x38: {  	s10 =	sld [smem:$0x3FB9]  }
0x39: {  	_ = 	snop;
	(pc) =	sbr.ind lr, $3  }
0x3a: {  	_ = 	snop  }
0x3b: {  	_ = 	snop  }
0x3c: {  	p2 =	seq.s32 s10, $0x1;
	s10 =	sld [smem:$0x3FB8]  }
0x3d: {  	_ =	shalt  }
0x3e: {  	_ =	shalt  }
0x3f: {  	_ =	shalt  }
0x40: {  	_ =	shalt  }
0x41: {  	_ =	shalt  }
0x42: {  	_ =	shalt  }
0x43: {  	_ =	shalt  }
0x44: {  	_ =	shalt  }
0x45: {  	_ =	shalt  }
0x46: {  	_ =	shalt  }
0x47: {  	_ =	shalt  }
0x48: {  	_ =	shalt  }
0x49: {  	_ =	shalt  }
0x4a: {  	_ =	shalt  }
0x4b: {  	_ =	shalt  }
0x4c: {  	_ =	shalt  }
0x4d: {  	_ =	shalt  }
0x4e: {  	_ =	shalt  }
0x4f: {  	_ =	shalt  }
0x50: {  	_ =	shalt  }
0x51: {  	_ =	shalt  }
0x52: {  	_ =	shalt  }
0x53: {  	_ =	shalt  }
0x54: {  	_ =	shalt  }
0x55: {  	_ =	shalt  }
0x56: {  	_ =	shalt  }
0x57: {  	_ =	shalt  }
0x58: {  	_ =	shalt  }
0x59: {  	_ =	shalt  }
0x5a: {  	_ =	shalt  }
0x5b: {  	_ =	shalt  }
0x5c: {  	_ =	shalt  }
0x5d: {  	_ =	shalt  }
0x5e: {  	_ =	shalt  }
0x5f: {  	_ =	shalt  }
0x60: {  	_ =	shalt  }
0x61: {  	_ =	shalt  }
0x62: {  	_ =	shalt  }
0x63: {  	_ =	shalt  }
0x64: {  	_ =	shalt  }
0x65: {  	_ =	shalt  }
0x66: {  	_ =	shalt  }
0x67: {  	_ =	shalt  }
0x68: {  	_ =	shalt  }
0x69: {  	_ =	shalt  }
0x6a: {  	_ =	shalt  }
0x6b: {  	_ =	shalt  }
0x6c: {  	_ =	shalt  }
0x6d: {  	_ =	shalt  }
0x6e: {  	_ =	shalt  }
0x6f: {  	_ =	shalt  }
0x70: {  	_ =	shalt  }
0x71: {  	_ =	shalt  }
0x72: {  	_ =	shalt  }
0x73: {  	_ =	shalt  }
0x74: {  	_ =	shalt  }
0x75: {  	_ =	shalt  }
0x76: {  	_ =	shalt  }
0x77: {  	_ =	shalt  }
0x78: {  	_ =	shalt  }
0x79: {  	_ =	shalt  }
0x7a: {  	_ =	shalt  }
0x7b: {  	_ =	shalt  }
0x7c: {  	_ =	shalt  }
0x7d: {  	_ =	shalt  }
0x7e: {  	_ =	shalt  }
0x7f: {  	_ =	shalt  }
0x80: {  	_ =	shalt  }
0x81: {  	_ =	shalt  }
0x82: {  	_ =	shalt  }
0x83: {  	_ =	shalt  }
0x84: {  	_ =	shalt  }
0x85: {  	_ =	shalt  }
0x86: {  	_ =	shalt  }
0x87: {  	_ =	shalt  }
.Lfunc_end0:
.L_simem_size_0:
called_computation_lowered:
.L_overlay_start_0:
0x88: {  	s2 =	sld [smem:$0x3FD9]  }
0x89: {  	s3 =	sld [smem:$0x3FFE];
	_ =	sdelay $0x1  }
0x8a: {  	s1 =	srdreg.scid  }
0x8b: {  	s0 =	sand.u32 $0x1, s1  }
0x8c: {  	s17 =	sshll.u32 s0, $0xA;
	s2 =	sadd.s32 s3, s2  }
0x8d: {  	s2 =	sadd.s32 s2, s17  }
0x8e: {  	[smem:$0x3FC4] =	sst s2  }
0x8f: {  	_ = 	snop  }
0x90: {  	s2 =	sld [smem:$0x3FC8]  }
0x91: {  	s18 =	sld [smem:$0x3FC7]  }
0x92: {  	s4 =	sld [smem:$0x3FC6]  }
0x93: {  	s5 =	sld [smem:$0x3FD0];
	(tm) =	ssettm $0x1  }
0x94: {  	s6 =	sld [smem:$0x3FFB];
	_ =	sdelay $0x3  }
0x95: {  	_ =	strace s6  }
0x96: {  	s6 =	sld [smem:$0x3FFC];
	_ =	sdelay $0x3  }
0x97: {  	_ =	strace s6  }
0x98: {  	s6 =	sld [smem:$0x3FFD];
	_ =	sdelay $0x3  }
0x99: {  	_ =	strace s6  }
0x9a: {  	_ =	strace $0x8FFFFFFF  }
0x9b: {  	s19 =	sld [smem:$0x3FDB];
	_ =	sdelay $0x1  }
0x9c: {  	s7 =	simm.s32 $_scs_section_size  }
0x9d: {  	s8 =	simm.s32 $_size__tile_overlayer_lowered;
	s9 =	simm.s32 $_tile_overlayer_lowered  }
0x9e: {  	s22 =	simm.s32 $0x1BFF;
	s21 =	sshll.u32 s9, $0x1;
	s6 =	sadd.s32 s7, s19  }
0x9f: {  	s10 =	simm.s32 $0x0;
	s20 =	sshll.u32 s8, $0x1;
	s8 =	sadd.s32 s21, s6  }
0xa0: {  	[timem:s10], [sflag:s22] =	dma.local [hbm:s8], s20  }
0xa1: {  	_ =	swait.ge [sflag:s22], s20  }
0xa2: {  	s7 =	ssub.s32 $0x0, s20;
	[sflag:s22] =	ssyncset.done $0x0  }
0xa3: {  	[sflag:s22] =	ssyncadd.s32 s7;
	_ =	sdelay $0x1  }
0xa4: {  	s23 =	simm.s32 $0x1B8B  }
0xa5: {  	_ =	swait.ge [sflag:s23], $0x1  }
0xa6: {  	[sflag:s23] =	ssyncset.done $0x0  }
0xa7: {  	s25 =	simm.s32 $0x1B8E;
	s24 =	sld [smem:$0x3FFE];
	[sflag:s23] =	ssyncadd.s32 $0xFFFFFFFF  }
0xa8: {  	s26 =	simm.s32 $execute0_lowered;
	[smem:$0x3FD2] =	sst s25  }
0xa9: {  	s8 =	sshll.u32 s26, $0x1;
	_ =	strace $0x80000046;
	[dreg:$0x1] =	wrdreg $0xFFFFFFFF  }
0xaa: {  	s28 =	simm.s32 $_size_execute0_lowered;
	s6 =	sadd.s32 s6, s8;
	[dreg:$0x0] =	wrdreg $0x0  }
0xab: {  	s8 =	sshll.u32 s28, $0x1;
	[dreg:$0x2] =	wrdreg s6  }
0xac: {  	[dreg:$0x3] =	wrdreg s8  }
0xad: {  	[dreg:$0x4] =	wrdreg $0xC0  }
0xae: {  	_ =	task [dreg:s10], $0x5FFFF  }
0xaf: {  	[dreg:$0x1] =	wrdreg $0xFFFFFFFF  }
0xb0: {  	[dreg:$0x0] =	wrdreg $0x60  }
0xb1: {  	[dreg:$0x2] =	wrdreg s24  }
0xb2: {  	[dreg:$0x3] =	wrdreg s2  }
0xb3: {  	[dreg:$0x4] =	wrdreg s18  }
0xb4: {  	[dreg:$0x5] =	wrdreg s4  }
0xb5: {  	[dreg:$0x6] =	wrdreg s5  }
0xb6: {  	[dreg:$0x7] =	wrdreg $0x9  }
0xb7: {  	_ =	task.clear_ibuf [dreg:s10], $0x8FFFF;
	_ =	strace $0x90000046  }
0xb8: {  	s29 =	simm.s32 $0x9;
	_ =	strace $0x80000048  }
0xb9: {  	_ =	swait.ge [sflag:s29], $0x1  }
0xba: {  	[sflag:s29] =	ssyncadd.s32 $0xFFFFFFFF  }
0xbb: {  	_ =	strace $0x90000048  }
0xbc: {  	_ =	sfence  }
0xbd: {  	s30 =	sld [smem:$0x0];
	_ =	sdelay $0x2  }
0xbe: {  	s31 =	sshll.u32 s1, $0xD;
	s1 =	sshrl.u32 s1, $0x2  }
0xbf: {  	s3 =	sand.u32 $0x4000, s31;
	s1 =	sadd.s32 s1, s30  }
0xc0: {  	s0 =	sor.u32 s3, s0;
	s1 =	sshll.u32 s1, $0x11  }
0xc1: {  	s0 =	sor.u32 s1, s0  }
0xc2: {  	s0 =	sadd.s32 $0x8F2B, s0  }
0xc3: {  	[sflag:s0] =	ssyncadd.remote.s32 $0x1  }
0xc4: {  	_ =	sfence.sel $0xFFFF  }
0xc5: {  	[dreg:$0x0] =	wrdreg $0xFFFFFFFF;
	(pc) =	sbr.abs _section_cstart, $3  }
0xc6: {  	[dreg:$0x1] =	wrdreg $0xFFFFFFFF  }
0xc7: {  	_ =	task.clear_ibuf [dreg:s10], $0x2FFFF;
	_ =	strace $0x9FFFFFFF  }
0xc8: {  	(tm) =	ssettm $0x7FFFFFFF  }
0xc9: {  	_ =	shalt  }
tec
execute0_lowered:
.L_overlay_start_1:
0x0: {  	(tag) =	ssettag $0x1  }
0x1: {  	s0 =	rddreg [dreg:$0x0]  }
0x2: {  	s1 =	rddreg [dreg:$0x1]  }
0x3: {  	s5 =	rddreg [dreg:$0x2]  }
0x4: {  	s7 =	rddreg [dreg:$0x3]  }
0x5: {  	s6 =	rddreg [dreg:$0x4];
	s2 =	simm.s32 $0x0;
	s3 =	srdreg.scid  }
0x6: {  	s9 =	stileid.u32;
	s14 =	simm.s32 $0x2;
	s15 =	simm.s32 $0x200  }
0x7: {  	s18 =	simm.s32 $0x2A00;
	s17 =	simm.s32 $0x12A00;
	s19 =	simm.s32 $0x2800  }
0x8: {  	s20 =	simm.s32 $0x13A00;
	s21 =	simm.s32 $0x1;
	s22 =	simm.s32 $0x14A00  }
0x9: {  	s23 =	simm.s32 $0x15200;
	s24 =	simm.s32 $0x15A00;
	s25 =	simm.s32 $0x16200  }
0xa: {  	s26 =	simm.s32 $0x16A00;
	s28 =	simm.s32 $0x17200;
	s29 =	simm.s32 $0x0  }
0xb: {  	[smem:$0x7FF] =	sst s2;
	s4 =	sand.u32 $0x1, s3;
	s9 =	sshll.u32 s9, $0x1  }
0xc: {  	s3 =	sadd.s32 $0x800, s0;
	s8 =	ssub.s32 $0x2, s4;
	s4 =	sor.u32 s4, s9  }
0xd: {  	_ =	strace $0x80000047;
	s30 =	sshrl.u32 s8, $0x1;
	s31 =	sshll.u32 s4, $0x6  }
0xe: {  	s9 =	sshll.u32 s4, $0x8;
	s0 =	ssub.s32 s8, s30;
	s4 =	sadd.s32 s1, s31  }
0xf: {  	s5 =	sadd.s32 s5, s31;
	s6 =	sadd.s32 s6, s9;
	s7 =	sadd.s32 s7, s31  }
0x10: {  	v0 =	vlaneseq.u32;
	s8 =	sadd.s32 $0x2000, s6;
	s9 =	sadd.s32 $0x4000, s6;
	s10 =	sadd.s32 $0x6000, s6  }
0x11: {  	v0 =	vmul.u32 $0x8, v0;
	s11 =	sadd.s32 $0x8000, s6;
	s12 =	sadd.s32 $0xA000, s6;
	s13 =	smax.u32 s0, $0x1  }
.LBB2_1:
0x12: {  	[tilespmem:s2], [sflag:$0x2] =	stream.linear.gather [hbm4b:s4+s2], $0x200, $0x38;
	[tilespmem:$0x17A00] =	vst v63  }
0x13: {  	_ =	swait.ge [sflag:s14], $0x200  }
0x14: {  	[sflag:s14] =	ssyncset.done $0x0  }
0x15: {  	[sflag:s14] =	ssyncadd.s32 $0xFFFFFE00  }
0x16: {  	[tilespmem:s15], [sflag:$0x2] =	stream.linear.gather [hbm4b:s5+s2], $0x200, $0x38;
	[tilespmem:$0x17A00] =	vst v63  }
0x17: {  	_ =	swait.ge [sflag:s14], $0x200  }
0x18: {  	[sflag:s14] =	ssyncset.done $0x0  }
0x19: {  	s0 =	simm.s32 $0x400;
	[sflag:s14] =	ssyncadd.s32 $0xFFFFFE00  }
0x1a: {  	[tilespmem:s0], [sflag:$0x2] =	stream.linear.gather [hbm4b:s7+s2], $0x200, $0x38;
	[tilespmem:$0x17A00] =	vst v63  }
0x1b: {  	_ =	swait.ge [sflag:s14], $0x200  }
0x1c: {  	[sflag:s14] =	ssyncset.done $0x0  }
0x1d: {  	s30 =	simm.s32 $0x0;
	[sflag:s14] =	ssyncadd.s32 $0xFFFFFE00  }
0x1e: {  	v1 =	vld [tilespmem:s30+$0x400];
	_ =	sdelay $0x1  }
0x1f: {  	v2 =	vld [tilespmem:s30+$0x0];
	_ =	sdelay $0x2  }
0x20: {  	v3 =	vshrl.u32 v1, $0x3  }
0x21: {  	v4 =	vld [tilespmem:s30+$0x200];
	v1 =	vand.u32 $0xFFFFFF80, v1;
	v3 =	vand.u32 $0xF, v3  }
0x22: {  	v5 =	vshrl.u32 v2, $0x3;
	v1 =	vor.u32 v1, v3  }
0x23: {  	v2 =	vand.u32 $0xFFFFFF80, v2;
	v3 =	vand.u32 $0xF, v5;
	v5 =	vadd.s32 $0x7A310, v1  }
0x24: {  	v2 =	vor.u32 v2, v3;
	v3 =	vor.u32 $0x60, v1;
	[tilespmem:s30+$0x2800] =	vst v5  }
0x25: {  	v5 =	vor.u32 $0x40, v2;
	[tilespmem:s30+$0x1200] =	vst v3  }
0x26: {  	v3 =	vshrl.u32 v4, $0x3;
	v6 =	vor.u32 $0x70, v2;
	[tilespmem:s30+$0x600] =	vst v5  }
0x27: {  	v4 =	vand.u32 $0xFFFFFF80, v4;
	v3 =	vand.u32 $0xF, v3;
	v5 =	vadd.s32 $0x30E40, v2;
	[tilespmem:s30+$0x1800] =	vst v6  }
0x28: {  	v6 =	vadd.s32 $0x61C40, v2;
	v3 =	vor.u32 v4, v3;
	[tilespmem:s30+$0x800] =	vst v5  }
0x29: {  	v4 =	vadd.s32 $0x30E70, v2;
	v2 =	vadd.s32 $0x61C70, v2;
	[tilespmem:s30+$0xA00] =	vst v6;
	v10 =	vor.u32 $0x50, v3  }
0x2a: {  	[tilespmem:s30+$0x1A00] =	vst v4;
	v9 =	vadd.s32 $0x18700, v3;
	v8 =	vadd.s32 $0x30E50, v3;
	v5 =	vadd.s32 $0x49500, v3  }
0x2b: {  	v6 =	vadd.s32 $0x61C50, v3;
	v7 =	vadd.s32 $0x7A300, v3;
	v4 =	vadd.s32 $0x18710, v1;
	[tilespmem:s30+$0x1C00] =	vst v2  }
0x2c: {  	s31 =	simm.s32 $0x10;
	s0 =	simm.s32 $0x80;
	v3 =	vadd.s32 $0x30E60, v1;
	v2 =	vadd.s32 $0x49510, v1;
	v1 =	vadd.s32 $0x61C60, v1;
	[tilespmem:s30+$0xC00] =	vst v10  }
.LBB2_2:
0x2d: {  	p0 =	sne.s32 s0, $0x7C0;
	v10 =	vld [tilespmem:s31+$0x400];
	[tilespmem:s30+$0x1E00] =	vst v9  }
0x2e: {  	v9 =	vld [tilespmem:s31+$0x0];
	[tilespmem:s30+$0xE00] =	vst v8  }
0x2f: {  	v8 =	vld [tilespmem:s31+$0x200];
	[tilespmem:s30+$0x2000] =	vst v5  }
0x30: {  	[tilespmem:s30+$0x1000] =	vst v6  }
0x31: {  	[tilespmem:s30+$0x2200] =	vst v7  }
0x32: {  	v5 =	vshrl.u32 v10, $0x3;
	[tilespmem:s30+$0x2400] =	vst v4  }
0x33: {  	v6 =	vand.u32 $0xFFFFFF80, v10;
	v4 =	vshrl.u32 v9, $0x3;
	v5 =	vand.u32 $0xF, v5;
	[tilespmem:s30+$0x1400] =	vst v3  }
0x34: {  	v3 =	vand.u32 $0xF, v4;
	v4 =	vshrl.u32 v8, $0x3;
	v10 =	vor.u32 v6, v5;
	[tilespmem:s30+$0x2600] =	vst v2  }
0x35: {  	v2 =	vand.u32 $0xFFFFFF80, v9;
	v4 =	vand.u32 $0xF, v4;
	v5 =	vadd.s32 $0x7A310, v10;
	[tilespmem:s30+$0x1600] =	vst v1;
	s30 =	smov.u32 s31  }
0x36: {  	v1 =	vor.u32 v2, v3;
	v2 =	vand.u32 $0xFFFFFF80, v8;
	v3 =	vor.u32 $0x60, v10;
	[tilespmem:s30+$0x2800] =	vst v5  }
0x37: {  	v5 =	vor.u32 $0x40, v1;
	v6 =	vor.u32 $0x70, v1;
	v2 =	vor.u32 v2, v4;
	[tilespmem:s30+$0x1200] =	vst v3  }
0x38: {  	v4 =	vadd.s32 $0x30E70, v1;
	v11 =	vadd.s32 $0x61C40, v1;
	v3 =	vadd.s32 $0x30E40, v1;
	[tilespmem:s30+$0x600] =	vst v5  }
0x39: {  	v12 =	vadd.s32 $0x61C70, v1;
	v13 =	vor.u32 $0x50, v2;
	v9 =	vadd.s32 $0x18700, v2;
	[tilespmem:s30+$0x1800] =	vst v6  }
.Ltmp0:
0x3a: {  	v8 =	vadd.s32 $0x30E50, v2;
	v5 =	vadd.s32 $0x49500, v2;
	v6 =	vadd.s32 $0x61C50, v2;
	[tilespmem:s30+$0x800] =	vst v3;
	(pc) =	sbr.rel @p0 .LBB2_2-.Ltmp0, $4  }
0x3b: {  	v7 =	vadd.s32 $0x7A300, v2;
	v3 =	vadd.s32 $0x30E60, v10;
	[tilespmem:s30+$0x1A00] =	vst v4;
	v4 =	vadd.s32 $0x18710, v10  }
0x3c: {  	v1 =	vadd.s32 $0x61C60, v10;
	v2 =	vadd.s32 $0x49510, v10;
	[tilespmem:s30+$0xA00] =	vst v11  }
0x3d: {  	[tilespmem:s30+$0x1C00] =	vst v12  }
0x3e: {  	s31 =	sshra.s32 s0, $0x2;
	s0 =	sadd.s32 $0x40, s0;
	[tilespmem:s30+$0xC00] =	vst v13  }
0x3f: {  	v10 =	vld [tilespmem:s31+$0x400];
	[tilespmem:s30+$0x1E00] =	vst v9  }
0x40: {  	v9 =	vld [tilespmem:s31+$0x0];
	[tilespmem:s30+$0xE00] =	vst v8  }
0x41: {  	v8 =	vld [tilespmem:s31+$0x200];
	[tilespmem:s30+$0x2000] =	vst v5  }
0x42: {  	[tilespmem:s30+$0x1000] =	vst v6  }
0x43: {  	[tilespmem:s30+$0x2200] =	vst v7  }
0x44: {  	[tilespmem:s30+$0x2400] =	vst v4;
	v60 =	vshrl.u32 v10, $0x3  }
0x45: {  	[tilespmem:s30+$0x1400] =	vst v3;
	v61 =	vand.u32 $0xFFFFFF80, v10;
	v5 =	vand.u32 $0xF, v60  }
0x46: {  	[tilespmem:s30+$0x2600] =	vst v2;
	v3 =	vshrl.u32 v9, $0x3;
	v4 =	vor.u32 v61, v5  }
0x47: {  	[tilespmem:s30+$0x1600] =	vst v1;
	v2 =	vand.u32 $0xF, v3;
	v3 =	vand.u32 $0xFFFFFF80, v9;
	v5 =	vadd.s32 $0x7A310, v4  }
0x48: {  	v1 =	vor.u32 v3, v2;
	v2 =	vor.u32 $0x60, v4;
	[tilespmem:s31+$0x2800] =	vst v5  }
0x49: {  	v3 =	vor.u32 $0x40, v1;
	[tilespmem:s31+$0x1200] =	vst v2  }
0x4a: {  	v2 =	vor.u32 $0x70, v1;
	[tilespmem:s31+$0x600] =	vst v3  }
0x4b: {  	v62 =	vadd.s32 $0x30E70, v1;
	[tilespmem:s31+$0x1800] =	vst v2  }
0x4c: {  	v3 =	vadd.s32 $0x30E40, v1;
	v2 =	vshrl.u32 v8, $0x3;
	[tilespmem:s31+$0x1A00] =	vst v62  }
0x4d: {  	v63 =	vadd.s32 $0x61C40, v1;
	[tilespmem:s31+$0x800] =	vst v3;
	v2 =	vand.u32 $0xF, v2;
	v3 =	vand.u32 $0xFFFFFF80, v8  }
0x4e: {  	v1 =	vadd.s32 $0x61C70, v1;
	[tilespmem:s31+$0xA00] =	vst v63;
	v2 =	vor.u32 v3, v2  }
0x4f: {  	[tilespmem:s31+$0x1C00] =	vst v1;
	v3 =	vor.u32 $0x50, v2  }
0x50: {  	v1 =	vadd.s32 $0x18700, v2;
	[tilespmem:s31+$0xC00] =	vst v3  }
0x51: {  	v3 =	vadd.s32 $0x30E50, v2;
	[tilespmem:s31+$0x1E00] =	vst v1  }
0x52: {  	v1 =	vadd.s32 $0x49500, v2;
	[tilespmem:s31+$0xE00] =	vst v3  }
0x53: {  	v3 =	vadd.s32 $0x61C50, v2;
	[tilespmem:s31+$0x2000] =	vst v1  }
0x54: {  	v1 =	vadd.s32 $0x7A300, v2;
	[tilespmem:s31+$0x1000] =	vst v3  }
0x55: {  	v2 =	vadd.s32 $0x18710, v4;
	[tilespmem:s31+$0x2200] =	vst v1  }
0x56: {  	v1 =	vadd.s32 $0x30E60, v4;
	[tilespmem:s31+$0x2400] =	vst v2  }
0x57: {  	v2 =	vadd.s32 $0x49510, v4;
	[tilespmem:s31+$0x1400] =	vst v1  }
0x58: {  	v1 =	vadd.s32 $0x61C60, v4;
	[tilespmem:s31+$0x2600] =	vst v2  }
0x59: {  	s0 =	simm.s32 $0x600;
	[tilespmem:s31+$0x1600] =	vst v1  }
0x5a: {  	[tilespmem:s18], [sflag:$0x1] =	stream.indirect.gather [hbm4b:s3+s15], $0x8, s0, s15, $0xb8;
	[tilespmem:$0x17A00] =	vst v63  }
0x5b: {  	s16 =	simm.s32 $0x800;
	s1 =	simm.s32 $0x3A00  }
0x5c: {  	[tilespmem:s1], [sflag:$0x1] =	stream.indirect.gather [hbm4b:s3+s15], $0x8, s16, s15, $0xb8;
	[tilespmem:$0x17A00] =	vst v63  }
0x5d: {  	s1 =	simm.s32 $0xA00;
	s16 =	simm.s32 $0x4A00  }
0x5e: {  	[tilespmem:s16], [sflag:$0x1] =	stream.indirect.gather [hbm4b:s3+s15], $0x8, s1, s15, $0xb8;
	[tilespmem:$0x17A00] =	vst v63  }
0x5f: {  	s1 =	simm.s32 $0xC00;
	s16 =	simm.s32 $0x5A00  }
0x60: {  	[tilespmem:s16], [sflag:$0x1] =	stream.indirect.gather [hbm4b:s3+s15], $0x8, s1, s15, $0xb8;
	[tilespmem:$0x17A00] =	vst v63  }
0x61: {  	s1 =	simm.s32 $0xE00;
	s16 =	simm.s32 $0x6A00  }
0x62: {  	[tilespmem:s16], [sflag:$0x1] =	stream.indirect.gather [hbm4b:s3+s15], $0x8, s1, s15, $0xb8;
	[tilespmem:$0x17A00] =	vst v63  }
0x63: {  	s1 =	simm.s32 $0x1000;
	s16 =	simm.s32 $0x7A00  }
0x64: {  	[tilespmem:s16], [sflag:$0x1] =	stream.indirect.gather [hbm4b:s3+s15], $0x8, s1, s15, $0xb8;
	[tilespmem:$0x17A00] =	vst v63  }
0x65: {  	s1 =	simm.s32 $0x1200;
	s16 =	simm.s32 $0x8A00  }
0x66: {  	[tilespmem:s16], [sflag:$0x1] =	stream.indirect.gather [hbm4b:s3+s15], $0x8, s1, s15, $0xb8;
	[tilespmem:$0x17A00] =	vst v63  }
0x67: {  	s1 =	simm.s32 $0x1400;
	s16 =	simm.s32 $0x9A00  }
0x68: {  	[tilespmem:s16], [sflag:$0x1] =	stream.indirect.gather [hbm4b:s3+s15], $0x8, s1, s15, $0xb8;
	[tilespmem:$0x17A00] =	vst v63  }
0x69: {  	s1 =	simm.s32 $0x1600;
	s16 =	simm.s32 $0xAA00  }
0x6a: {  	[tilespmem:s16], [sflag:$0x1] =	stream.indirect.gather [hbm4b:s3+s15], $0x8, s1, s15, $0xb8;
	[tilespmem:$0x17A00] =	vst v63  }
0x6b: {  	s1 =	simm.s32 $0x1800;
	s16 =	simm.s32 $0xBA00  }
0x6c: {  	[tilespmem:s16], [sflag:$0x1] =	stream.indirect.gather [hbm4b:s3+s15], $0x8, s1, s15, $0xb8;
	[tilespmem:$0x17A00] =	vst v63  }
0x6d: {  	s1 =	simm.s32 $0x1A00;
	s16 =	simm.s32 $0xCA00  }
0x6e: {  	[tilespmem:s16], [sflag:$0x1] =	stream.indirect.gather [hbm4b:s3+s15], $0x8, s1, s15, $0xb8;
	[tilespmem:$0x17A00] =	vst v63  }
0x6f: {  	s1 =	simm.s32 $0x1C00;
	s16 =	simm.s32 $0xDA00  }
0x70: {  	[tilespmem:s16], [sflag:$0x1] =	stream.indirect.gather [hbm4b:s3+s15], $0x8, s1, s15, $0xb8;
	[tilespmem:$0x17A00] =	vst v63  }
0x71: {  	s1 =	simm.s32 $0x1E00;
	s16 =	simm.s32 $0xEA00  }
0x72: {  	[tilespmem:s16], [sflag:$0x1] =	stream.indirect.gather [hbm4b:s3+s15], $0x8, s1, s15, $0xb8;
	[tilespmem:$0x17A00] =	vst v63  }
0x73: {  	s1 =	simm.s32 $0x2000;
	s16 =	simm.s32 $0xFA00  }
0x74: {  	[tilespmem:s16], [sflag:$0x1] =	stream.indirect.gather [hbm4b:s3+s15], $0x8, s1, s15, $0xb8;
	[tilespmem:$0x17A00] =	vst v63  }
0x75: {  	s1 =	simm.s32 $0x2200;
	s16 =	simm.s32 $0x10A00  }
0x76: {  	[tilespmem:s16], [sflag:$0x1] =	stream.indirect.gather [hbm4b:s3+s15], $0x8, s1, s15, $0xb8;
	[tilespmem:$0x17A00] =	vst v63  }
0x77: {  	s1 =	simm.s32 $0x2400;
	s16 =	simm.s32 $0x11A00  }
0x78: {  	[tilespmem:s16], [sflag:$0x1] =	stream.indirect.gather [hbm4b:s3+s15], $0x8, s1, s15, $0xb8;
	[tilespmem:$0x17A00] =	vst v63  }
0x79: {  	s16 =	simm.s32 $0x2600  }
0x7a: {  	[tilespmem:s17], [sflag:$0x1] =	stream.indirect.gather [hbm4b:s3+s15], $0x8, s16, s15, $0xb8;
	[tilespmem:$0x17A00] =	vst v63  }
0x7b: {  	_ = 	snop  }
0x7c: {  	[tilespmem:s20], [sflag:$0x1] =	stream.indirect.gather [hbm4b:s3+s15], $0x8, s19, s15, $0xb8;
	[tilespmem:$0x17A00] =	vst v63  }
0x7d: {  	_ =	swait.ge [sflag:s21], $0x1000  }
0x7e: {  	s30 =	simm.s32 $0x0;
	s31 =	simm.s32 $0x10;
	[sflag:s21] =	ssyncset.done $0x0  }
0x7f: {  	s0 =	simm.s32 $0x0;
	s1 =	simm.s32 $0x0;
	[sflag:s21] =	ssyncadd.s32 $0xFFFFF000  }
.LBB2_4:
0x80: {  	p0 =	sne.s32 s31, $0x1F0;
	v1 =	vld [tilespmem:s1+$0x0];
	_ =	sdelay $0x2  }
0x81: {  	v2 =	vmov s0  }
0x82: {  	v2 =	vshll.u32 v2, $0x3  }
0x83: {  	v2 =	vor.u32 v0, v2;
	v1 =	vand.u32 $0x7, v1  }
0x84: {  	v1 =	vor.u32 v2, v1;
	_ =	sdelay $0x4  }
0x85: {  	v1 =	vld.idx.msk [tilespmem:v1+s18+$0x0], $0xffff;
	_ =	sdelay $0x1  }
.Ltmp1:
0x86: {  	(pc) =	sbr.rel @p0 .LBB2_4-.Ltmp1, $4  }
0x87: {  	_ = 	snop  }
0x88: {  	s1 =	sand.u32 $0x70, s0;
	s16 =	sand.u32 $0x600, s30;
	s0 =	smov.u32 s31  }
0x89: {  	s30 =	sadd.s32 $0x40, s30;
	s16 =	sor.u32 s1, s16  }
0x8a: {  	s31 =	sadd.s32 $0x10, s31;
	s1 =	sshra.s32 s30, $0x2;
	[tilespmem:s16+$0x14A00] =	vst v1  }
0x8b: {  	v1 =	vld [tilespmem:s1+$0x0];
	_ =	sdelay $0x2  }
0x8c: {  	v2 =	vmov s0  }
0x8d: {  	v2 =	vshll.u32 v2, $0x3  }
0x8e: {  	v2 =	vor.u32 v0, v2;
	v1 =	vand.u32 $0x7, v1  }
0x8f: {  	v1 =	vor.u32 v2, v1;
	_ =	sdelay $0x4  }
0x90: {  	v1 =	vld.idx.msk [tilespmem:v1+s18+$0x0], $0xffff;
	_ =	sdelay $0x2  }
0x91: {  	s1 =	sand.u32 $0x70, s0;
	s16 =	sand.u32 $0x600, s30  }
0x92: {  	s0 =	sor.u32 s1, s16  }
0x93: {  	[tilespmem:s0+$0x14A00] =	vst v1  }
0x94: {  	_ =	swait.ge [sflag:s21], $0x1000  }
0x95: {  	s31 =	simm.s32 $0x10;
	s30 =	simm.s32 $0x0;
	[sflag:s21] =	ssyncset.done $0x0  }
0x96: {  	s1 =	simm.s32 $0x0;
	s0 =	simm.s32 $0x0;
	[sflag:s21] =	ssyncadd.s32 $0xFFFFF000  }
.LBB2_6:
0x97: {  	p0 =	sne.s32 s31, $0x1F0;
	v1 =	vld [tilespmem:s1+$0x0];
	_ =	sdelay $0x1  }
0x98: {  	s1 =	sadd.s32 $0x200, s0  }
0x99: {  	v2 =	vmov s1  }
0x9a: {  	v2 =	vshll.u32 v2, $0x3  }
0x9b: {  	v2 =	vor.u32 v0, v2;
	v1 =	vand.u32 $0x7, v1  }
0x9c: {  	v1 =	vor.u32 v2, v1;
	_ =	sdelay $0x4  }
0x9d: {  	v1 =	vld.idx.msk [tilespmem:v1+s18+$0x0], $0xffff;
	_ =	sdelay $0x1  }
.Ltmp2:
0x9e: {  	(pc) =	sbr.rel @p0 .LBB2_6-.Ltmp2, $4  }
0x9f: {  	_ = 	snop  }
0xa0: {  	s16 =	sand.u32 $0x600, s30;
	s1 =	sand.u32 $0x70, s0;
	s0 =	smov.u32 s31  }
0xa1: {  	s30 =	sadd.s32 $0x40, s30;
	s16 =	sor.u32 s1, s16  }
0xa2: {  	s31 =	sadd.s32 $0x10, s31;
	s1 =	sshra.s32 s30, $0x2;
	[tilespmem:s16+$0x14A80] =	vst v1  }
0xa3: {  	v1 =	vld [tilespmem:s1+$0x0];
	_ =	sdelay $0x1  }
0xa4: {  	s16 =	sadd.s32 $0x200, s0  }
0xa5: {  	v2 =	vmov s16  }
0xa6: {  	v2 =	vshll.u32 v2, $0x3  }
0xa7: {  	v2 =	vor.u32 v0, v2;
	v1 =	vand.u32 $0x7, v1  }
0xa8: {  	v1 =	vor.u32 v2, v1;
	_ =	sdelay $0x4  }
0xa9: {  	v1 =	vld.idx.msk [tilespmem:v1+s18+$0x0], $0xffff;
	_ =	sdelay $0x2  }
0xaa: {  	s1 =	sand.u32 $0x70, s0;
	s16 =	sand.u32 $0x600, s30  }
0xab: {  	s0 =	sor.u32 s1, s16  }
0xac: {  	[tilespmem:s0+$0x14A80] =	vst v1  }
0xad: {  	_ =	swait.ge [sflag:s21], $0x1000  }
0xae: {  	s31 =	simm.s32 $0x10;
	s30 =	simm.s32 $0x0;
	[sflag:s21] =	ssyncset.done $0x0  }
0xaf: {  	s1 =	simm.s32 $0x0;
	s0 =	simm.s32 $0x0;
	[sflag:s21] =	ssyncadd.s32 $0xFFFFF000  }
.LBB2_8:
0xb0: {  	p0 =	sne.s32 s31, $0x1F0;
	v1 =	vld [tilespmem:s1+$0x0];
	_ =	sdelay $0x1  }
0xb1: {  	s1 =	sadd.s32 $0x400, s0  }
0xb2: {  	v2 =	vmov s1  }
0xb3: {  	v2 =	vshll.u32 v2, $0x3  }
0xb4: {  	v2 =	vor.u32 v0, v2;
	v1 =	vand.u32 $0x7, v1  }
0xb5: {  	v1 =	vor.u32 v2, v1;
	_ =	sdelay $0x4  }
0xb6: {  	v1 =	vld.idx.msk [tilespmem:v1+s18+$0x0], $0xffff;
	_ =	sdelay $0x1  }
.Ltmp3:
0xb7: {  	(pc) =	sbr.rel @p0 .LBB2_8-.Ltmp3, $4  }
0xb8: {  	_ = 	snop  }
0xb9: {  	s16 =	sand.u32 $0x600, s30;
	s1 =	sand.u32 $0x70, s0;
	s0 =	smov.u32 s31  }
0xba: {  	s30 =	sadd.s32 $0x40, s30;
	s16 =	sor.u32 s1, s16  }
0xbb: {  	s31 =	sadd.s32 $0x10, s31;
	s1 =	sshra.s32 s30, $0x2;
	[tilespmem:s16+$0x14B00] =	vst v1  }
0xbc: {  	v1 =	vld [tilespmem:s1+$0x0];
	_ =	sdelay $0x1  }
0xbd: {  	s16 =	sadd.s32 $0x400, s0  }
0xbe: {  	v2 =	vmov s16  }
0xbf: {  	v2 =	vshll.u32 v2, $0x3  }
0xc0: {  	v2 =	vor.u32 v0, v2;
	v1 =	vand.u32 $0x7, v1  }
0xc1: {  	v1 =	vor.u32 v2, v1;
	_ =	sdelay $0x4  }
0xc2: {  	v1 =	vld.idx.msk [tilespmem:v1+s18+$0x0], $0xffff;
	_ =	sdelay $0x2  }
0xc3: {  	s1 =	sand.u32 $0x70, s0;
	s16 =	sand.u32 $0x600, s30  }
0xc4: {  	s0 =	sor.u32 s1, s16  }
0xc5: {  	[tilespmem:s0+$0x14B00] =	vst v1  }
0xc6: {  	_ =	swait.ge [sflag:s21], $0x1000  }
0xc7: {  	s31 =	simm.s32 $0x10;
	s30 =	simm.s32 $0x0;
	[sflag:s21] =	ssyncset.done $0x0  }
0xc8: {  	s1 =	simm.s32 $0x0;
	s0 =	simm.s32 $0x0;
	[sflag:s21] =	ssyncadd.s32 $0xFFFFF000  }
.LBB2_10:
0xc9: {  	p0 =	sne.s32 s31, $0x1F0;
	v1 =	vld [tilespmem:s1+$0x200];
	_ =	sdelay $0x1  }
0xca: {  	s1 =	sadd.s32 $0x600, s0  }
0xcb: {  	v2 =	vmov s1  }
0xcc: {  	v2 =	vshll.u32 v2, $0x3  }
0xcd: {  	v2 =	vor.u32 v0, v2;
	v1 =	vand.u32 $0x7, v1  }
0xce: {  	v1 =	vor.u32 v2, v1;
	_ =	sdelay $0x4  }
0xcf: {  	v1 =	vld.idx.msk [tilespmem:v1+s18+$0x0], $0xffff;
	_ =	sdelay $0x1  }
.Ltmp4:
0xd0: {  	(pc) =	sbr.rel @p0 .LBB2_10-.Ltmp4, $4  }
0xd1: {  	_ = 	snop  }
0xd2: {  	s16 =	sand.u32 $0x600, s30;
	s1 =	sand.u32 $0x70, s0;
	s0 =	smov.u32 s31  }
0xd3: {  	s30 =	sadd.s32 $0x40, s30;
	s16 =	sor.u32 s1, s16  }
0xd4: {  	s31 =	sadd.s32 $0x10, s31;
	s1 =	sshra.s32 s30, $0x2;
	[tilespmem:s16+$0x15200] =	vst v1  }
0xd5: {  	v1 =	vld [tilespmem:s1+$0x200];
	_ =	sdelay $0x1  }
0xd6: {  	s16 =	sadd.s32 $0x600, s0  }
0xd7: {  	v2 =	vmov s16  }
0xd8: {  	v2 =	vshll.u32 v2, $0x3  }
0xd9: {  	v2 =	vor.u32 v0, v2;
	v1 =	vand.u32 $0x7, v1  }
0xda: {  	v1 =	vor.u32 v2, v1;
	_ =	sdelay $0x4  }
0xdb: {  	v1 =	vld.idx.msk [tilespmem:v1+s18+$0x0], $0xffff;
	_ =	sdelay $0x2  }
0xdc: {  	s1 =	sand.u32 $0x70, s0;
	s16 =	sand.u32 $0x600, s30  }
0xdd: {  	s0 =	sor.u32 s1, s16  }
0xde: {  	[tilespmem:s0+$0x15200] =	vst v1  }
0xdf: {  	_ =	swait.ge [sflag:s21], $0x1000  }
0xe0: {  	s31 =	simm.s32 $0x10;
	s30 =	simm.s32 $0x0;
	[sflag:s21] =	ssyncset.done $0x0  }
0xe1: {  	s1 =	simm.s32 $0x0;
	s0 =	simm.s32 $0x0;
	[sflag:s21] =	ssyncadd.s32 $0xFFFFF000  }
.LBB2_12:
0xe2: {  	p0 =	sne.s32 s31, $0x1F0;
	v1 =	vld [tilespmem:s1+$0x200];
	_ =	sdelay $0x1  }
0xe3: {  	s1 =	sadd.s32 $0x800, s0  }
0xe4: {  	v2 =	vmov s1  }
0xe5: {  	v2 =	vshll.u32 v2, $0x3  }
0xe6: {  	v2 =	vor.u32 v0, v2;
	v1 =	vand.u32 $0x7, v1  }
0xe7: {  	v1 =	vor.u32 v2, v1;
	_ =	sdelay $0x4  }
0xe8: {  	v1 =	vld.idx.msk [tilespmem:v1+s18+$0x0], $0xffff;
	_ =	sdelay $0x1  }
.Ltmp5:
0xe9: {  	(pc) =	sbr.rel @p0 .LBB2_12-.Ltmp5, $4  }
0xea: {  	_ = 	snop  }
0xeb: {  	s16 =	sand.u32 $0x600, s30;
	s1 =	sand.u32 $0x70, s0;
	s0 =	smov.u32 s31  }
0xec: {  	s30 =	sadd.s32 $0x40, s30;
	s16 =	sor.u32 s1, s16  }
0xed: {  	s31 =	sadd.s32 $0x10, s31;
	s1 =	sshra.s32 s30, $0x2;
	[tilespmem:s16+$0x15280] =	vst v1  }
0xee: {  	v1 =	vld [tilespmem:s1+$0x200];
	_ =	sdelay $0x1  }
0xef: {  	s16 =	sadd.s32 $0x800, s0  }
0xf0: {  	v2 =	vmov s16  }
0xf1: {  	v2 =	vshll.u32 v2, $0x3  }
0xf2: {  	v2 =	vor.u32 v0, v2;
	v1 =	vand.u32 $0x7, v1  }
0xf3: {  	v1 =	vor.u32 v2, v1;
	_ =	sdelay $0x4  }
0xf4: {  	v1 =	vld.idx.msk [tilespmem:v1+s18+$0x0], $0xffff;
	_ =	sdelay $0x2  }
0xf5: {  	s1 =	sand.u32 $0x70, s0;
	s16 =	sand.u32 $0x600, s30  }
0xf6: {  	s0 =	sor.u32 s1, s16  }
0xf7: {  	[tilespmem:s0+$0x15280] =	vst v1  }
0xf8: {  	_ =	swait.ge [sflag:s21], $0x1000  }
0xf9: {  	s31 =	simm.s32 $0x10;
	s30 =	simm.s32 $0x0;
	[sflag:s21] =	ssyncset.done $0x0  }
0xfa: {  	s1 =	simm.s32 $0x0;
	s0 =	simm.s32 $0x0;
	[sflag:s21] =	ssyncadd.s32 $0xFFFFF000  }
.LBB2_14:
0xfb: {  	p0 =	sne.s32 s31, $0x1F0;
	v1 =	vld [tilespmem:s1+$0x200];
	_ =	sdelay $0x1  }
0xfc: {  	s1 =	sadd.s32 $0xA00, s0  }
0xfd: {  	v2 =	vmov s1  }
0xfe: {  	v2 =	vshll.u32 v2, $0x3  }
0xff: {  	v2 =	vor.u32 v0, v2;
	v1 =	vand.u32 $0x7, v1  }
0x100: {  	v1 =	vor.u32 v2, v1;
	_ =	sdelay $0x4  }
0x101: {  	v1 =	vld.idx.msk [tilespmem:v1+s18+$0x0], $0xffff;
	_ =	sdelay $0x1  }
.Ltmp6:
0x102: {  	(pc) =	sbr.rel @p0 .LBB2_14-.Ltmp6, $4  }
0x103: {  	_ = 	snop  }
0x104: {  	s16 =	sand.u32 $0x600, s30;
	s1 =	sand.u32 $0x70, s0;
	s0 =	smov.u32 s31  }
0x105: {  	s30 =	sadd.s32 $0x40, s30;
	s16 =	sor.u32 s1, s16  }
0x106: {  	s31 =	sadd.s32 $0x10, s31;
	s1 =	sshra.s32 s30, $0x2;
	[tilespmem:s16+$0x15300] =	vst v1  }
0x107: {  	v1 =	vld [tilespmem:s1+$0x200];
	_ =	sdelay $0x1  }
0x108: {  	s16 =	sadd.s32 $0xA00, s0  }
0x109: {  	v2 =	vmov s16  }
0x10a: {  	v2 =	vshll.u32 v2, $0x3  }
0x10b: {  	v2 =	vor.u32 v0, v2;
	v1 =	vand.u32 $0x7, v1  }
0x10c: {  	v1 =	vor.u32 v2, v1;
	_ =	sdelay $0x4  }
0x10d: {  	v1 =	vld.idx.msk [tilespmem:v1+s18+$0x0], $0xffff;
	_ =	sdelay $0x2  }
0x10e: {  	s1 =	sand.u32 $0x70, s0;
	s16 =	sand.u32 $0x600, s30  }
0x10f: {  	s0 =	sor.u32 s1, s16  }
0x110: {  	[tilespmem:s0+$0x15300] =	vst v1  }
0x111: {  	_ =	swait.ge [sflag:s21], $0x1000  }
0x112: {  	s31 =	simm.s32 $0x10;
	s30 =	simm.s32 $0x0;
	[sflag:s21] =	ssyncset.done $0x0  }
0x113: {  	s1 =	simm.s32 $0x0;
	s0 =	simm.s32 $0x0;
	[sflag:s21] =	ssyncadd.s32 $0xFFFFF000  }
.LBB2_16:
0x114: {  	p0 =	sne.s32 s31, $0x1F0;
	v1 =	vld [tilespmem:s1+$0x400];
	_ =	sdelay $0x1  }
0x115: {  	s1 =	sadd.s32 $0xC00, s0  }
0x116: {  	v2 =	vmov s1  }
0x117: {  	v2 =	vshll.u32 v2, $0x3  }
0x118: {  	v2 =	vor.u32 v0, v2;
	v1 =	vand.u32 $0x7, v1  }
0x119: {  	v1 =	vor.u32 v2, v1;
	_ =	sdelay $0x4  }
0x11a: {  	v1 =	vld.idx.msk [tilespmem:v1+s18+$0x0], $0xffff;
	_ =	sdelay $0x1  }
.Ltmp7:
0x11b: {  	(pc) =	sbr.rel @p0 .LBB2_16-.Ltmp7, $4  }
0x11c: {  	_ = 	snop  }
0x11d: {  	s16 =	sand.u32 $0x600, s30;
	s1 =	sand.u32 $0x70, s0;
	s0 =	smov.u32 s31  }
0x11e: {  	s30 =	sadd.s32 $0x40, s30;
	s16 =	sor.u32 s1, s16  }
0x11f: {  	s31 =	sadd.s32 $0x10, s31;
	s1 =	sshra.s32 s30, $0x2;
	[tilespmem:s16+$0x15A00] =	vst v1  }
0x120: {  	v1 =	vld [tilespmem:s1+$0x400];
	_ =	sdelay $0x1  }
0x121: {  	s16 =	sadd.s32 $0xC00, s0  }
0x122: {  	v2 =	vmov s16  }
0x123: {  	v2 =	vshll.u32 v2, $0x3  }
0x124: {  	v2 =	vor.u32 v0, v2;
	v1 =	vand.u32 $0x7, v1  }
0x125: {  	v1 =	vor.u32 v2, v1;
	_ =	sdelay $0x4  }
0x126: {  	v1 =	vld.idx.msk [tilespmem:v1+s18+$0x0], $0xffff;
	_ =	sdelay $0x2  }
0x127: {  	s1 =	sand.u32 $0x70, s0;
	s16 =	sand.u32 $0x600, s30  }
0x128: {  	s0 =	sor.u32 s1, s16  }
0x129: {  	[tilespmem:s0+$0x15A00] =	vst v1  }
0x12a: {  	_ =	swait.ge [sflag:s21], $0x1000  }
0x12b: {  	s31 =	simm.s32 $0x10;
	s30 =	simm.s32 $0x0;
	[sflag:s21] =	ssyncset.done $0x0  }
0x12c: {  	s1 =	simm.s32 $0x0;
	s0 =	simm.s32 $0x0;
	[sflag:s21] =	ssyncadd.s32 $0xFFFFF000  }
.LBB2_18:
0x12d: {  	p0 =	sne.s32 s31, $0x1F0;
	v1 =	vld [tilespmem:s1+$0x400];
	_ =	sdelay $0x1  }
0x12e: {  	s1 =	sadd.s32 $0xE00, s0  }
0x12f: {  	v2 =	vmov s1  }
0x130: {  	v2 =	vshll.u32 v2, $0x3  }
0x131: {  	v2 =	vor.u32 v0, v2;
	v1 =	vand.u32 $0x7, v1  }
0x132: {  	v1 =	vor.u32 v2, v1;
	_ =	sdelay $0x4  }
0x133: {  	v1 =	vld.idx.msk [tilespmem:v1+s18+$0x0], $0xffff;
	_ =	sdelay $0x1  }
.Ltmp8:
0x134: {  	(pc) =	sbr.rel @p0 .LBB2_18-.Ltmp8, $4  }
0x135: {  	_ = 	snop  }
0x136: {  	s16 =	sand.u32 $0x600, s30;
	s1 =	sand.u32 $0x70, s0;
	s0 =	smov.u32 s31  }
0x137: {  	s30 =	sadd.s32 $0x40, s30;
	s16 =	sor.u32 s1, s16  }
0x138: {  	s31 =	sadd.s32 $0x10, s31;
	s1 =	sshra.s32 s30, $0x2;
	[tilespmem:s16+$0x15A80] =	vst v1  }
0x139: {  	v1 =	vld [tilespmem:s1+$0x400];
	_ =	sdelay $0x1  }
0x13a: {  	s16 =	sadd.s32 $0xE00, s0  }
0x13b: {  	v2 =	vmov s16  }
0x13c: {  	v2 =	vshll.u32 v2, $0x3  }
0x13d: {  	v2 =	vor.u32 v0, v2;
	v1 =	vand.u32 $0x7, v1  }
0x13e: {  	v1 =	vor.u32 v2, v1;
	_ =	sdelay $0x4  }
0x13f: {  	v1 =	vld.idx.msk [tilespmem:v1+s18+$0x0], $0xffff;
	_ =	sdelay $0x2  }
0x140: {  	s1 =	sand.u32 $0x70, s0;
	s16 =	sand.u32 $0x600, s30  }
0x141: {  	s0 =	sor.u32 s1, s16  }
0x142: {  	[tilespmem:s0+$0x15A80] =	vst v1  }
0x143: {  	_ =	swait.ge [sflag:s21], $0x1000  }
0x144: {  	s31 =	simm.s32 $0x10;
	s30 =	simm.s32 $0x0;
	[sflag:s21] =	ssyncset.done $0x0  }
0x145: {  	s1 =	simm.s32 $0x0;
	s0 =	simm.s32 $0x0;
	[sflag:s21] =	ssyncadd.s32 $0xFFFFF000  }
.LBB2_20:
0x146: {  	p0 =	sne.s32 s31, $0x1F0;
	v1 =	vld [tilespmem:s1+$0x400];
	_ =	sdelay $0x1  }
0x147: {  	s1 =	sadd.s32 $0x1000, s0  }
0x148: {  	v2 =	vmov s1  }
0x149: {  	v2 =	vshll.u32 v2, $0x3  }
0x14a: {  	v2 =	vor.u32 v0, v2;
	v1 =	vand.u32 $0x7, v1  }
0x14b: {  	v1 =	vor.u32 v2, v1;
	_ =	sdelay $0x4  }
0x14c: {  	v1 =	vld.idx.msk [tilespmem:v1+s18+$0x0], $0xffff;
	_ =	sdelay $0x1  }
.Ltmp9:
0x14d: {  	(pc) =	sbr.rel @p0 .LBB2_20-.Ltmp9, $4  }
0x14e: {  	_ = 	snop  }
0x14f: {  	s16 =	sand.u32 $0x600, s30;
	s1 =	sand.u32 $0x70, s0;
	s0 =	smov.u32 s31  }
0x150: {  	s30 =	sadd.s32 $0x40, s30;
	s16 =	sor.u32 s1, s16  }
0x151: {  	s31 =	sadd.s32 $0x10, s31;
	s1 =	sshra.s32 s30, $0x2;
	[tilespmem:s16+$0x15B00] =	vst v1  }
0x152: {  	v1 =	vld [tilespmem:s1+$0x400];
	_ =	sdelay $0x1  }
0x153: {  	s16 =	sadd.s32 $0x1000, s0  }
0x154: {  	v2 =	vmov s16  }
0x155: {  	v2 =	vshll.u32 v2, $0x3  }
0x156: {  	v2 =	vor.u32 v0, v2;
	v1 =	vand.u32 $0x7, v1  }
0x157: {  	v1 =	vor.u32 v2, v1;
	_ =	sdelay $0x4  }
0x158: {  	v1 =	vld.idx.msk [tilespmem:v1+s18+$0x0], $0xffff;
	_ =	sdelay $0x2  }
0x159: {  	s1 =	sand.u32 $0x70, s0;
	s16 =	sand.u32 $0x600, s30  }
0x15a: {  	s0 =	sor.u32 s1, s16  }
0x15b: {  	[tilespmem:s0+$0x15B00] =	vst v1  }
0x15c: {  	_ =	swait.ge [sflag:s21], $0x1000  }
0x15d: {  	s31 =	simm.s32 $0x10;
	s30 =	simm.s32 $0x0;
	[sflag:s21] =	ssyncset.done $0x0  }
0x15e: {  	s1 =	simm.s32 $0x0;
	s0 =	simm.s32 $0x0;
	[sflag:s21] =	ssyncadd.s32 $0xFFFFF000  }
.LBB2_22:
0x15f: {  	p0 =	sne.s32 s31, $0x1F0;
	v1 =	vld [tilespmem:s1+$0x0];
	_ =	sdelay $0x1  }
0x160: {  	s1 =	sadd.s32 $0x1200, s0  }
0x161: {  	v2 =	vmov s1  }
0x162: {  	v2 =	vshll.u32 v2, $0x3  }
0x163: {  	v2 =	vor.u32 v0, v2;
	v1 =	vand.u32 $0x7, v1  }
0x164: {  	v1 =	vor.u32 v2, v1;
	_ =	sdelay $0x4  }
0x165: {  	v1 =	vld.idx.msk [tilespmem:v1+s18+$0x0], $0xffff;
	_ =	sdelay $0x1  }
.Ltmp10:
0x166: {  	(pc) =	sbr.rel @p0 .LBB2_22-.Ltmp10, $4  }
0x167: {  	_ = 	snop  }
0x168: {  	s16 =	sand.u32 $0x600, s30;
	s1 =	sand.u32 $0x70, s0;
	s0 =	smov.u32 s31  }
0x169: {  	s30 =	sadd.s32 $0x40, s30;
	s16 =	sor.u32 s1, s16  }
0x16a: {  	s31 =	sadd.s32 $0x10, s31;
	s1 =	sshra.s32 s30, $0x2;
	[tilespmem:s16+$0x16200] =	vst v1  }
0x16b: {  	v1 =	vld [tilespmem:s1+$0x0];
	_ =	sdelay $0x1  }
0x16c: {  	s16 =	sadd.s32 $0x1200, s0  }
0x16d: {  	v2 =	vmov s16  }
0x16e: {  	v2 =	vshll.u32 v2, $0x3  }
0x16f: {  	v2 =	vor.u32 v0, v2;
	v1 =	vand.u32 $0x7, v1  }
0x170: {  	v1 =	vor.u32 v2, v1;
	_ =	sdelay $0x4  }
0x171: {  	v1 =	vld.idx.msk [tilespmem:v1+s18+$0x0], $0xffff;
	_ =	sdelay $0x2  }
0x172: {  	s1 =	sand.u32 $0x70, s0;
	s16 =	sand.u32 $0x600, s30  }
0x173: {  	s0 =	sor.u32 s1, s16  }
0x174: {  	[tilespmem:s0+$0x16200] =	vst v1  }
0x175: {  	_ =	swait.ge [sflag:s21], $0x1000  }
0x176: {  	s31 =	simm.s32 $0x10;
	s30 =	simm.s32 $0x0;
	[sflag:s21] =	ssyncset.done $0x0  }
0x177: {  	s1 =	simm.s32 $0x0;
	s0 =	simm.s32 $0x0;
	[sflag:s21] =	ssyncadd.s32 $0xFFFFF000  }
.LBB2_24:
0x178: {  	p0 =	sne.s32 s31, $0x1F0;
	v1 =	vld [tilespmem:s1+$0x0];
	_ =	sdelay $0x1  }
0x179: {  	s1 =	sadd.s32 $0x1400, s0  }
0x17a: {  	v2 =	vmov s1  }
0x17b: {  	v2 =	vshll.u32 v2, $0x3  }
0x17c: {  	v2 =	vor.u32 v0, v2;
	v1 =	vand.u32 $0x7, v1  }
0x17d: {  	v1 =	vor.u32 v2, v1;
	_ =	sdelay $0x4  }
0x17e: {  	v1 =	vld.idx.msk [tilespmem:v1+s18+$0x0], $0xffff;
	_ =	sdelay $0x1  }
.Ltmp11:
0x17f: {  	(pc) =	sbr.rel @p0 .LBB2_24-.Ltmp11, $4  }
0x180: {  	_ = 	snop  }
0x181: {  	s16 =	sand.u32 $0x600, s30;
	s1 =	sand.u32 $0x70, s0;
	s0 =	smov.u32 s31  }
0x182: {  	s30 =	sadd.s32 $0x40, s30;
	s16 =	sor.u32 s1, s16  }
0x183: {  	s31 =	sadd.s32 $0x10, s31;
	s1 =	sshra.s32 s30, $0x2;
	[tilespmem:s16+$0x16280] =	vst v1  }
0x184: {  	v1 =	vld [tilespmem:s1+$0x0];
	_ =	sdelay $0x1  }
0x185: {  	s16 =	sadd.s32 $0x1400, s0  }
0x186: {  	v2 =	vmov s16  }
0x187: {  	v2 =	vshll.u32 v2, $0x3  }
0x188: {  	v2 =	vor.u32 v0, v2;
	v1 =	vand.u32 $0x7, v1  }
0x189: {  	v1 =	vor.u32 v2, v1;
	_ =	sdelay $0x4  }
0x18a: {  	v1 =	vld.idx.msk [tilespmem:v1+s18+$0x0], $0xffff;
	_ =	sdelay $0x2  }
0x18b: {  	s1 =	sand.u32 $0x70, s0;
	s16 =	sand.u32 $0x600, s30  }
0x18c: {  	s0 =	sor.u32 s1, s16  }
0x18d: {  	[tilespmem:s0+$0x16280] =	vst v1  }
0x18e: {  	_ =	swait.ge [sflag:s21], $0x1000  }
0x18f: {  	s31 =	simm.s32 $0x10;
	s30 =	simm.s32 $0x0;
	[sflag:s21] =	ssyncset.done $0x0  }
0x190: {  	s1 =	simm.s32 $0x0;
	s0 =	simm.s32 $0x0;
	[sflag:s21] =	ssyncadd.s32 $0xFFFFF000  }
.LBB2_26:
0x191: {  	p0 =	sne.s32 s31, $0x1F0;
	v1 =	vld [tilespmem:s1+$0x0];
	_ =	sdelay $0x1  }
0x192: {  	s1 =	sadd.s32 $0x1600, s0  }
0x193: {  	v2 =	vmov s1  }
0x194: {  	v2 =	vshll.u32 v2, $0x3  }
0x195: {  	v2 =	vor.u32 v0, v2;
	v1 =	vand.u32 $0x7, v1  }
0x196: {  	v1 =	vor.u32 v2, v1;
	_ =	sdelay $0x4  }
0x197: {  	v1 =	vld.idx.msk [tilespmem:v1+s18+$0x0], $0xffff;
	_ =	sdelay $0x1  }
.Ltmp12:
0x198: {  	(pc) =	sbr.rel @p0 .LBB2_26-.Ltmp12, $4  }
0x199: {  	_ = 	snop  }
0x19a: {  	s16 =	sand.u32 $0x600, s30;
	s1 =	sand.u32 $0x70, s0;
	s0 =	smov.u32 s31  }
0x19b: {  	s30 =	sadd.s32 $0x40, s30;
	s16 =	sor.u32 s1, s16  }
0x19c: {  	s31 =	sadd.s32 $0x10, s31;
	s1 =	sshra.s32 s30, $0x2;
	[tilespmem:s16+$0x16300] =	vst v1  }
0x19d: {  	v1 =	vld [tilespmem:s1+$0x0];
	_ =	sdelay $0x1  }
0x19e: {  	s16 =	sadd.s32 $0x1600, s0  }
0x19f: {  	v2 =	vmov s16  }
0x1a0: {  	v2 =	vshll.u32 v2, $0x3  }
0x1a1: {  	v2 =	vor.u32 v0, v2;
	v1 =	vand.u32 $0x7, v1  }
0x1a2: {  	v1 =	vor.u32 v2, v1;
	_ =	sdelay $0x4  }
0x1a3: {  	v1 =	vld.idx.msk [tilespmem:v1+s18+$0x0], $0xffff;
	_ =	sdelay $0x2  }
0x1a4: {  	s1 =	sand.u32 $0x70, s0;
	s16 =	sand.u32 $0x600, s30  }
0x1a5: {  	s0 =	sor.u32 s1, s16  }
0x1a6: {  	[tilespmem:s0+$0x16300] =	vst v1  }
0x1a7: {  	_ =	swait.ge [sflag:s21], $0x1000  }
0x1a8: {  	s31 =	simm.s32 $0x10;
	s30 =	simm.s32 $0x0;
	[sflag:s21] =	ssyncset.done $0x0  }
0x1a9: {  	s1 =	simm.s32 $0x0;
	s0 =	simm.s32 $0x0;
	[sflag:s21] =	ssyncadd.s32 $0xFFFFF000  }
.LBB2_28:
0x1aa: {  	p0 =	sne.s32 s31, $0x1F0;
	v1 =	vld [tilespmem:s1+$0x200];
	_ =	sdelay $0x1  }
0x1ab: {  	s1 =	sadd.s32 $0x1800, s0  }
0x1ac: {  	v2 =	vmov s1  }
0x1ad: {  	v2 =	vshll.u32 v2, $0x3  }
0x1ae: {  	v2 =	vor.u32 v0, v2;
	v1 =	vand.u32 $0x7, v1  }
0x1af: {  	v1 =	vor.u32 v2, v1;
	_ =	sdelay $0x4  }
0x1b0: {  	v1 =	vld.idx.msk [tilespmem:v1+s18+$0x0], $0xffff;
	_ =	sdelay $0x1  }
.Ltmp13:
0x1b1: {  	(pc) =	sbr.rel @p0 .LBB2_28-.Ltmp13, $4  }
0x1b2: {  	_ = 	snop  }
0x1b3: {  	s16 =	sand.u32 $0x600, s30;
	s1 =	sand.u32 $0x70, s0;
	s0 =	smov.u32 s31  }
0x1b4: {  	s30 =	sadd.s32 $0x40, s30;
	s16 =	sor.u32 s1, s16  }
0x1b5: {  	s31 =	sadd.s32 $0x10, s31;
	s1 =	sshra.s32 s30, $0x2;
	[tilespmem:s16+$0x16A00] =	vst v1  }
0x1b6: {  	v1 =	vld [tilespmem:s1+$0x200];
	_ =	sdelay $0x1  }
0x1b7: {  	s16 =	sadd.s32 $0x1800, s0  }
0x1b8: {  	v2 =	vmov s16  }
0x1b9: {  	v2 =	vshll.u32 v2, $0x3  }
0x1ba: {  	v2 =	vor.u32 v0, v2;
	v1 =	vand.u32 $0x7, v1  }
0x1bb: {  	v1 =	vor.u32 v2, v1;
	_ =	sdelay $0x4  }
0x1bc: {  	v1 =	vld.idx.msk [tilespmem:v1+s18+$0x0], $0xffff;
	_ =	sdelay $0x2  }
0x1bd: {  	s1 =	sand.u32 $0x70, s0;
	s16 =	sand.u32 $0x600, s30  }
0x1be: {  	s0 =	sor.u32 s1, s16  }
0x1bf: {  	[tilespmem:s0+$0x16A00] =	vst v1  }
0x1c0: {  	_ =	swait.ge [sflag:s21], $0x1000  }
0x1c1: {  	s31 =	simm.s32 $0x10;
	s30 =	simm.s32 $0x0;
	[sflag:s21] =	ssyncset.done $0x0  }
0x1c2: {  	s1 =	simm.s32 $0x0;
	s0 =	simm.s32 $0x0;
	[sflag:s21] =	ssyncadd.s32 $0xFFFFF000  }
.LBB2_30:
0x1c3: {  	p0 =	sne.s32 s31, $0x1F0;
	v1 =	vld [tilespmem:s1+$0x200];
	_ =	sdelay $0x1  }
0x1c4: {  	s1 =	sadd.s32 $0x1A00, s0  }
0x1c5: {  	v2 =	vmov s1  }
0x1c6: {  	v2 =	vshll.u32 v2, $0x3  }
0x1c7: {  	v2 =	vor.u32 v0, v2;
	v1 =	vand.u32 $0x7, v1  }
0x1c8: {  	v1 =	vor.u32 v2, v1;
	_ =	sdelay $0x4  }
0x1c9: {  	v1 =	vld.idx.msk [tilespmem:v1+s18+$0x0], $0xffff;
	_ =	sdelay $0x1  }
.Ltmp14:
0x1ca: {  	(pc) =	sbr.rel @p0 .LBB2_30-.Ltmp14, $4  }
0x1cb: {  	_ = 	snop  }
0x1cc: {  	s16 =	sand.u32 $0x600, s30;
	s1 =	sand.u32 $0x70, s0;
	s0 =	smov.u32 s31  }
0x1cd: {  	s30 =	sadd.s32 $0x40, s30;
	s16 =	sor.u32 s1, s16  }
0x1ce: {  	s31 =	sadd.s32 $0x10, s31;
	s1 =	sshra.s32 s30, $0x2;
	[tilespmem:s16+$0x16A80] =	vst v1  }
0x1cf: {  	v1 =	vld [tilespmem:s1+$0x200];
	_ =	sdelay $0x1  }
0x1d0: {  	s16 =	sadd.s32 $0x1A00, s0  }
0x1d1: {  	v2 =	vmov s16  }
0x1d2: {  	v2 =	vshll.u32 v2, $0x3  }
0x1d3: {  	v2 =	vor.u32 v0, v2;
	v1 =	vand.u32 $0x7, v1  }
0x1d4: {  	v1 =	vor.u32 v2, v1;
	_ =	sdelay $0x4  }
0x1d5: {  	v1 =	vld.idx.msk [tilespmem:v1+s18+$0x0], $0xffff;
	_ =	sdelay $0x2  }
0x1d6: {  	s1 =	sand.u32 $0x70, s0;
	s16 =	sand.u32 $0x600, s30  }
0x1d7: {  	s0 =	sor.u32 s1, s16  }
0x1d8: {  	[tilespmem:s0+$0x16A80] =	vst v1  }
0x1d9: {  	_ =	swait.ge [sflag:s21], $0x1000  }
0x1da: {  	s31 =	simm.s32 $0x10;
	s30 =	simm.s32 $0x0;
	[sflag:s21] =	ssyncset.done $0x0  }
0x1db: {  	s1 =	simm.s32 $0x0;
	s0 =	simm.s32 $0x0;
	[sflag:s21] =	ssyncadd.s32 $0xFFFFF000  }
.LBB2_32:
0x1dc: {  	p0 =	sne.s32 s31, $0x1F0;
	v1 =	vld [tilespmem:s1+$0x200];
	_ =	sdelay $0x1  }
0x1dd: {  	s1 =	sadd.s32 $0x1C00, s0  }
0x1de: {  	v2 =	vmov s1  }
0x1df: {  	v2 =	vshll.u32 v2, $0x3  }
0x1e0: {  	v2 =	vor.u32 v0, v2;
	v1 =	vand.u32 $0x7, v1  }
0x1e1: {  	v1 =	vor.u32 v2, v1;
	_ =	sdelay $0x4  }
0x1e2: {  	v1 =	vld.idx.msk [tilespmem:v1+s18+$0x0], $0xffff;
	_ =	sdelay $0x1  }
.Ltmp15:
0x1e3: {  	(pc) =	sbr.rel @p0 .LBB2_32-.Ltmp15, $4  }
0x1e4: {  	_ = 	snop  }
0x1e5: {  	s16 =	sand.u32 $0x600, s30;
	s1 =	sand.u32 $0x70, s0;
	s0 =	smov.u32 s31  }
0x1e6: {  	s30 =	sadd.s32 $0x40, s30;
	s16 =	sor.u32 s1, s16  }
0x1e7: {  	s31 =	sadd.s32 $0x10, s31;
	s1 =	sshra.s32 s30, $0x2;
	[tilespmem:s16+$0x16B00] =	vst v1  }
0x1e8: {  	v1 =	vld [tilespmem:s1+$0x200];
	_ =	sdelay $0x1  }
0x1e9: {  	s16 =	sadd.s32 $0x1C00, s0  }
0x1ea: {  	v2 =	vmov s16  }
0x1eb: {  	v2 =	vshll.u32 v2, $0x3  }
0x1ec: {  	v2 =	vor.u32 v0, v2;
	v1 =	vand.u32 $0x7, v1  }
0x1ed: {  	v1 =	vor.u32 v2, v1;
	_ =	sdelay $0x4  }
0x1ee: {  	v1 =	vld.idx.msk [tilespmem:v1+s18+$0x0], $0xffff;
	_ =	sdelay $0x2  }
0x1ef: {  	s1 =	sand.u32 $0x70, s0;
	s16 =	sand.u32 $0x600, s30  }
0x1f0: {  	s0 =	sor.u32 s1, s16  }
0x1f1: {  	[tilespmem:s0+$0x16B00] =	vst v1  }
0x1f2: {  	_ =	swait.ge [sflag:s21], $0x1000  }
0x1f3: {  	s31 =	simm.s32 $0x10;
	s30 =	simm.s32 $0x0;
	[sflag:s21] =	ssyncset.done $0x0  }
0x1f4: {  	s1 =	simm.s32 $0x0;
	s0 =	simm.s32 $0x0;
	[sflag:s21] =	ssyncadd.s32 $0xFFFFF000  }
.LBB2_34:
0x1f5: {  	p0 =	sne.s32 s31, $0x1F0;
	v1 =	vld [tilespmem:s1+$0x400];
	_ =	sdelay $0x1  }
0x1f6: {  	s1 =	sadd.s32 $0x1E00, s0  }
0x1f7: {  	v2 =	vmov s1  }
0x1f8: {  	v2 =	vshll.u32 v2, $0x3  }
0x1f9: {  	v2 =	vor.u32 v0, v2;
	v1 =	vand.u32 $0x7, v1  }
0x1fa: {  	v1 =	vor.u32 v2, v1;
	_ =	sdelay $0x4  }
0x1fb: {  	v1 =	vld.idx.msk [tilespmem:v1+s18+$0x0], $0xffff;
	_ =	sdelay $0x1  }
.Ltmp16:
0x1fc: {  	(pc) =	sbr.rel @p0 .LBB2_34-.Ltmp16, $4  }
0x1fd: {  	_ = 	snop  }
0x1fe: {  	s16 =	sand.u32 $0x600, s30;
	s1 =	sand.u32 $0x70, s0;
	s0 =	smov.u32 s31  }
0x1ff: {  	s30 =	sadd.s32 $0x40, s30;
	s16 =	sor.u32 s1, s16  }
0x200: {  	s31 =	sadd.s32 $0x10, s31;
	s1 =	sshra.s32 s30, $0x2;
	[tilespmem:s16+$0x17200] =	vst v1  }
0x201: {  	v1 =	vld [tilespmem:s1+$0x400];
	_ =	sdelay $0x1  }
0x202: {  	s16 =	sadd.s32 $0x1E00, s0  }
0x203: {  	v2 =	vmov s16  }
0x204: {  	v2 =	vshll.u32 v2, $0x3  }
0x205: {  	v2 =	vor.u32 v0, v2;
	v1 =	vand.u32 $0x7, v1  }
0x206: {  	v1 =	vor.u32 v2, v1;
	_ =	sdelay $0x4  }
0x207: {  	v1 =	vld.idx.msk [tilespmem:v1+s18+$0x0], $0xffff;
	_ =	sdelay $0x2  }
0x208: {  	s1 =	sand.u32 $0x70, s0;
	s16 =	sand.u32 $0x600, s30  }
0x209: {  	s0 =	sor.u32 s1, s16  }
0x20a: {  	[tilespmem:s0+$0x17200] =	vst v1  }
0x20b: {  	_ =	swait.ge [sflag:s21], $0x1000  }
0x20c: {  	s31 =	simm.s32 $0x10;
	s30 =	simm.s32 $0x0;
	[sflag:s21] =	ssyncset.done $0x0  }
0x20d: {  	s1 =	simm.s32 $0x0;
	s0 =	simm.s32 $0x0;
	[sflag:s21] =	ssyncadd.s32 $0xFFFFF000  }
.LBB2_36:
0x20e: {  	p0 =	sne.s32 s31, $0x1F0;
	v1 =	vld [tilespmem:s1+$0x400];
	_ =	sdelay $0x1  }
0x20f: {  	s1 =	sadd.s32 $0x2000, s0  }
0x210: {  	v2 =	vmov s1  }
0x211: {  	v2 =	vshll.u32 v2, $0x3  }
0x212: {  	v2 =	vor.u32 v0, v2;
	v1 =	vand.u32 $0x7, v1  }
0x213: {  	v1 =	vor.u32 v2, v1;
	_ =	sdelay $0x4  }
0x214: {  	v1 =	vld.idx.msk [tilespmem:v1+s18+$0x0], $0xffff;
	_ =	sdelay $0x1  }
.Ltmp17:
0x215: {  	(pc) =	sbr.rel @p0 .LBB2_36-.Ltmp17, $4  }
0x216: {  	_ = 	snop  }
0x217: {  	s16 =	sand.u32 $0x600, s30;
	s1 =	sand.u32 $0x70, s0;
	s0 =	smov.u32 s31  }
0x218: {  	s30 =	sadd.s32 $0x40, s30;
	s16 =	sor.u32 s1, s16  }
0x219: {  	s31 =	sadd.s32 $0x10, s31;
	s1 =	sshra.s32 s30, $0x2;
	[tilespmem:s16+$0x17280] =	vst v1  }
0x21a: {  	v1 =	vld [tilespmem:s1+$0x400];
	_ =	sdelay $0x1  }
0x21b: {  	s16 =	sadd.s32 $0x2000, s0  }
0x21c: {  	v2 =	vmov s16  }
0x21d: {  	v2 =	vshll.u32 v2, $0x3  }
0x21e: {  	v2 =	vor.u32 v0, v2;
	v1 =	vand.u32 $0x7, v1  }
0x21f: {  	v1 =	vor.u32 v2, v1;
	_ =	sdelay $0x4  }
0x220: {  	v1 =	vld.idx.msk [tilespmem:v1+s18+$0x0], $0xffff;
	_ =	sdelay $0x2  }
0x221: {  	s1 =	sand.u32 $0x70, s0;
	s16 =	sand.u32 $0x600, s30  }
0x222: {  	s0 =	sor.u32 s1, s16  }
0x223: {  	[tilespmem:s0+$0x17280] =	vst v1  }
0x224: {  	_ =	swait.ge [sflag:s21], $0x1000  }
0x225: {  	s31 =	simm.s32 $0x10;
	s30 =	simm.s32 $0x0;
	[sflag:s21] =	ssyncset.done $0x0  }
0x226: {  	s1 =	simm.s32 $0x0;
	s0 =	simm.s32 $0x0;
	[sflag:s21] =	ssyncadd.s32 $0xFFFFF000  }
.LBB2_38:
0x227: {  	p0 =	sne.s32 s31, $0x1F0;
	v1 =	vld [tilespmem:s1+$0x400];
	_ =	sdelay $0x1  }
0x228: {  	s1 =	sadd.s32 $0x2200, s0  }
0x229: {  	v2 =	vmov s1  }
0x22a: {  	v2 =	vshll.u32 v2, $0x3  }
0x22b: {  	v2 =	vor.u32 v0, v2;
	v1 =	vand.u32 $0x7, v1  }
0x22c: {  	v1 =	vor.u32 v2, v1;
	_ =	sdelay $0x4  }
0x22d: {  	v1 =	vld.idx.msk [tilespmem:v1+s18+$0x0], $0xffff;
	_ =	sdelay $0x1  }
.Ltmp18:
0x22e: {  	(pc) =	sbr.rel @p0 .LBB2_38-.Ltmp18, $4  }
0x22f: {  	_ = 	snop  }
0x230: {  	s16 =	sand.u32 $0x600, s30;
	s1 =	sand.u32 $0x70, s0;
	s0 =	smov.u32 s31  }
0x231: {  	s30 =	sadd.s32 $0x40, s30;
	s16 =	sor.u32 s1, s16  }
0x232: {  	s31 =	sadd.s32 $0x10, s31;
	s1 =	sshra.s32 s30, $0x2;
	[tilespmem:s16+$0x17300] =	vst v1  }
0x233: {  	v1 =	vld [tilespmem:s1+$0x400];
	_ =	sdelay $0x1  }
0x234: {  	s31 =	sadd.s32 $0x2200, s0  }
0x235: {  	v2 =	vmov s31  }
0x236: {  	v2 =	vshll.u32 v2, $0x3  }
0x237: {  	v2 =	vor.u32 v0, v2;
	v1 =	vand.u32 $0x7, v1  }
0x238: {  	v1 =	vor.u32 v2, v1;
	_ =	sdelay $0x4  }
0x239: {  	v1 =	vld.idx.msk [tilespmem:v1+s18+$0x0], $0xffff;
	_ =	sdelay $0x2  }
0x23a: {  	s16 =	sand.u32 $0x70, s0;
	s31 =	sand.u32 $0x600, s30  }
0x23b: {  	s0 =	sor.u32 s16, s31  }
0x23c: {  	[tilespmem:s0+$0x17300] =	vst v1  }
0x23d: {  	[hbm4b:s6+s2] =	stream.linear.scatter [tilespmem:s22], [sflag:$0x2], $0x800, $0x38;
	[tilespmem:$0x17A00] =	vst v63  }
0x23e: {  	_ =	swait.ge [sflag:s14], $0x800  }
0x23f: {  	[sflag:s14] =	ssyncset.done $0x0  }
0x240: {  	[sflag:s14] =	ssyncadd.s32 $0xFFFFF800  }
0x241: {  	[hbm4b:s8+s2] =	stream.linear.scatter [tilespmem:s23], [sflag:$0x2], $0x800, $0x38;
	[tilespmem:$0x17A00] =	vst v63  }
0x242: {  	_ =	swait.ge [sflag:s14], $0x800  }
0x243: {  	[sflag:s14] =	ssyncset.done $0x0  }
0x244: {  	[sflag:s14] =	ssyncadd.s32 $0xFFFFF800  }
0x245: {  	[hbm4b:s9+s2] =	stream.linear.scatter [tilespmem:s24], [sflag:$0x2], $0x800, $0x38;
	[tilespmem:$0x17A00] =	vst v63  }
0x246: {  	_ =	swait.ge [sflag:s14], $0x800  }
0x247: {  	[sflag:s14] =	ssyncset.done $0x0  }
0x248: {  	[sflag:s14] =	ssyncadd.s32 $0xFFFFF800  }
0x249: {  	[hbm4b:s10+s2] =	stream.linear.scatter [tilespmem:s25], [sflag:$0x2], $0x800, $0x38;
	[tilespmem:$0x17A00] =	vst v63  }
0x24a: {  	_ =	swait.ge [sflag:s14], $0x800  }
0x24b: {  	[sflag:s14] =	ssyncset.done $0x0  }
0x24c: {  	[sflag:s14] =	ssyncadd.s32 $0xFFFFF800  }
0x24d: {  	[hbm4b:s11+s2] =	stream.linear.scatter [tilespmem:s26], [sflag:$0x2], $0x800, $0x38;
	[tilespmem:$0x17A00] =	vst v63  }
0x24e: {  	s29 =	sadd.s32 $0x1, s29;
	_ =	swait.ge [sflag:s14], $0x800  }
0x24f: {  	p0 =	sne.s32 s29, s13;
	[sflag:s14] =	ssyncset.done $0x0  }
.Ltmp19:
0x250: {  	[sflag:s14] =	ssyncadd.s32 $0xFFFFF800;
	(pc) =	sbr.rel @p0 .LBB2_1-.Ltmp19, $4  }
0x251: {  	[hbm4b:s12+s2] =	stream.linear.scatter [tilespmem:s28], [sflag:$0x2], $0x800, $0x38;
	[tilespmem:$0x17A00] =	vst v63  }
0x252: {  	_ =	swait.ge [sflag:s14], $0x800  }
0x253: {  	[sflag:s14] =	ssyncset.done $0x0  }
0x254: {  	[sflag:s14] =	ssyncadd.s32 $0xFFFFF800  }
0x255: {  	_ =	sfence.sel $0x180000  }
0x256: {  	[bflag:$0x0] =	sbarrier.arrive $0xFFFF  }
0x257: {  	_ =	strace $0x90000047  }
0x258: {  	s0 =	stileid.u32;
	[bflag:$0x2] =	sbarrier.arrive $0xFFFF  }
0x259: {  	p0 =	sne.s32 s0, $0x0;
	s0 =	rddreg [dreg:$0x5]  }
0x25a: {  	s0 =	sadd.s32 @!p0 $0x100000, s0  }
0x25b: {  	[sflag:s0] =	ssyncadd.tile.s32 @!p0 $0x1;
	_ =	shalt  }
.Lfunc_end2:
_tile_overlayer_lowered:
.L_overlay_start_2:
0x25c: {  	(tag) =	ssettag $0x2  }
0x25d: {  	s0 =	rddreg [dreg:$0x0];
	s2 =	stileid.u32  }
0x25e: {  	s1 =	rddreg [dreg:$0x1];
	p0 =	sne.s32 s2, $0x0  }
0x25f: {  	s3 =	rddreg [dreg:$0x2];
	[bflag:$0x3] =	sbarrier.arrive $0xFFFF;
	s2 =	simm.s32 @!p0 $0x1C02  }
0x260: {  	[timem:s3], [sflag:s2] =	dma.local @!p0 [hbm:s0], s1  }
0x261: {  	s0 =	simm.s32 @!p0 $0x2  }
0x262: {  	_ =	swait.ge @!p0 [sflag:s0], s1  }
0x263: {  	s1 =	ssub.s32 @!p0 $0x0, s1;
	[sflag:s0] =	ssyncset.done @!p0 $0x0  }
0x264: {  	[sflag:s0] =	ssyncadd.s32 @!p0 s1  }
0x265: {  	[bflag:$0x3] =	sbarrier.arrive $0xFFFF  }
0x266: {  	_ =	shalt  }

</sc_bundles>
